<compile_context>
chip_gen: v7x
topology: tpu7x:2x2x1
jax: 0.10.2.dev20260603
libtpu: 0.0.44.dev20260713+nightly
codegen_flags: <defaults>
</compile_context>

<pallas_src>
import functools

import jax
import jax.numpy as jnp
from jax import lax
from jax.experimental import pallas as pl
from jax.experimental.pallas import tpu as pltpu
from jax.experimental.pallas import tpu_sc as plsc

N_NODES = 10000
D_FEAT = 128
N_EDGES = 320000
E_TOT = 2 * N_EDGES

NC = 2
NS = 16
L = 16

F_PER_TILE = D_FEAT // NS
P_PER_TILE = F_PER_TILE // 2
E_PER_CORE = E_TOT // NC
CHUNK = 10000
N_CHUNKS = E_PER_CORE // CHUNK
N_PAIRS = N_CHUNKS // 2

_MESH = plsc.VectorSubcoreMesh(core_axis_name="c", subcore_axis_name="s")


@functools.partial(
    pl.kernel,
    out_type=jax.ShapeDtypeStruct((NS * E_TOT,), jnp.float32),
    mesh=_MESH,
    scratch_types=[
        pltpu.VMEM((P_PER_TILE * N_NODES,), jnp.int32),
        pltpu.VMEM((CHUNK,), jnp.int32),
        pltpu.VMEM((CHUNK,), jnp.int32),
        pltpu.VMEM((CHUNK,), jnp.float32),
        pltpu.VMEM((CHUNK,), jnp.int32),
        pltpu.VMEM((CHUNK,), jnp.int32),
        pltpu.VMEM((CHUNK,), jnp.float32),
        pltpu.SemaphoreType.DMA,
        pltpu.SemaphoreType.DMA,
        pltpu.SemaphoreType.DMA,
        pltpu.SemaphoreType.DMA,
    ],
    compiler_params=pltpu.CompilerParams(needs_layout_passes=False),
)
def _sc_partial_dots(
    ht_hbm, pe_hbm, ne_hbm, out_hbm,
    h_v, u0, v0, o0, u1, v1, o1, si0, si1, so0, so1,
):
    c = lax.axis_index("c")
    s = lax.axis_index("s")
    hbase = s * (P_PER_TILE * N_NODES)
    for p in range(5):
        pltpu.sync_copy(
            ht_hbm.at[pl.ds(hbase + p * 8000, 8000)], h_v.at[pl.ds(p * 8000, 8000)]
        )
    ebase = c * E_PER_CORE
    bufs = ((u0, v0, o0, si0, so0), (u1, v1, o1, si1, so1))

    def start_in(b, k):
        u_v, v_v, _, si, _ = bufs[b]
        base = k * CHUNK

        @pl.when(c == 0)
        def _():
            pltpu.async_copy(pe_hbm.at[pl.ds(base, CHUNK)], u_v, si)
            pltpu.async_copy(pe_hbm.at[pl.ds(N_EDGES + base, CHUNK)], v_v, si)

        @pl.when(c == 1)
        def _():
            pltpu.async_copy(ne_hbm.at[pl.ds(base, CHUNK)], u_v, si)
            pltpu.async_copy(ne_hbm.at[pl.ds(N_EDGES + base, CHUNK)], v_v, si)

    def wait_in(b):
        u_v, v_v, _, si, _ = bufs[b]
        pltpu.make_async_copy(pe_hbm.at[pl.ds(0, CHUNK)], u_v, si).wait()
        pltpu.make_async_copy(pe_hbm.at[pl.ds(0, CHUNK)], v_v, si).wait()

    def start_out(b, k):
        _, _, o_v, _, so = bufs[b]
        base = ebase + k * CHUNK
        pltpu.async_copy(o_v, out_hbm.at[pl.ds(s * E_TOT + base, CHUNK)], so)

    def wait_out(b):
        _, _, o_v, _, so = bufs[b]
        pltpu.make_async_copy(o_v, out_hbm.at[pl.ds(0, CHUNK)], so).wait()

    def compute(b):
        u_v, v_v, o_v, _, _ = bufs[b]

        @plsc.parallel_loop(0, CHUNK, step=L, unroll=8)
        def group_body(off):
            u = u_v[pl.ds(off, L)]
            w = v_v[pl.ds(off, L)]
            prods = []
            for q in range(P_PER_TILE):
                wu = plsc.load_gather(h_v, [u + (q * N_NODES)])
                ww = plsc.load_gather(h_v, [w + (q * N_NODES)])
                pu = plsc.bitcast(wu, jnp.bfloat16) * plsc.bitcast(ww, jnp.bfloat16)
                a, b = plsc.unpack(pu, format=plsc.PackFormat.INTERLEAVED)
                prods.append(a + b)
            while len(prods) > 1:
                prods = [prods[i] + prods[i + 1] for i in range(0, len(prods), 2)]
            o_v[pl.ds(off, L)] = prods[0]

    start_in(0, 0)

    def pair_body(j, carry):
        k0 = 2 * j
        start_in(1, k0 + 1)
        wait_in(0)

        @pl.when(j > 0)
        def _():
            wait_out(0)

        compute(0)
        start_out(0, k0)

        @pl.when(j < N_PAIRS - 1)
        def _():
            start_in(0, k0 + 2)

        wait_in(1)

        @pl.when(j > 0)
        def _():
            wait_out(1)

        compute(1)
        start_out(1, k0 + 1)
        return carry

    lax.fori_loop(0, N_PAIRS, pair_body, 0)
    wait_out(0)
    wait_out(1)


ROWS_TOT = E_TOT // 128
POS_ROWS = N_EDGES // 128
BLK_ROWS = 200
NBLK = ROWS_TOT // BLK_ROWS


def _tc_loss_body(p_ref, acc_ref):
    i = pl.program_id(0)
    score = jnp.sum(p_ref[...], axis=0)
    row = lax.broadcasted_iota(jnp.int32, score.shape, 0) + i * BLK_ROWS
    t = jnp.where(row < POS_ROWS, -score, score)
    term = jnp.maximum(t, 0.0) + jnp.log1p(jnp.exp(-jnp.abs(t)))
    prev = jnp.where(i == 0, 0.0, acc_ref[0, 0])
    total = prev + jnp.sum(term)
    acc_ref[0, 0] = jnp.where(i == NBLK - 1, total / E_TOT, total)


_tc_loss = pl.pallas_call(
    _tc_loss_body,
    grid=(NBLK,),
    in_specs=[pl.BlockSpec((NS, BLK_ROWS, 128), lambda i: (0, i, 0))],
    out_specs=pl.BlockSpec(memory_space=pltpu.SMEM),
    out_shape=jax.ShapeDtypeStruct((1, 1), jnp.float32),
)


def kernel(block_outputs, pos_edge_index, neg_edge_index):
    packed = lax.bitcast_convert_type(
        block_outputs.astype(jnp.bfloat16).reshape(N_NODES, D_FEAT // 2, 2),
        jnp.int32,
    )
    ht = packed.T.reshape(-1)
    pe = pos_edge_index.reshape(-1)
    ne = neg_edge_index.reshape(-1)
    partials = _sc_partial_dots(ht, pe, ne).reshape(NS, ROWS_TOT, 128)
    return _tc_loss(partials)[0, 0]

# --- scband reference (transcript-rebuilt; emitter-appended) ---
"""Pipeline reference for scband-cross-entropy-loss-20710332301846 (READ-ONLY COPY).

The authoritative reference and input builder live on the scoring server;
editing this copy changes nothing except your own understanding.
"""

import jax, jax.numpy as jnp
import numpy as np

N_NODES = 10000
D_FEAT = 128
N_EDGES = 320000


def setup_inputs(seed: int = 0) -> dict:
    key = jax.random.key(seed)
    k1, k2, k3 = jax.random.split(key, 3)
    block_outputs = jax.random.normal(k1, (N_NODES, D_FEAT), dtype=jnp.float32)
    pos_edge_index = jax.random.randint(k2, (2, N_EDGES), 0, N_NODES)
    neg_edge_index = jax.random.randint(k3, (2, N_EDGES), 0, N_NODES)
    return {
        "block_outputs": block_outputs,
        "pos_edge_index": pos_edge_index,
        "neg_edge_index": neg_edge_index,
    }


def _u_dot_v(h, edge_index):
    # DGL fn.u_dot_v('h','h','score'): per-edge dot product, keepdims -> [E, 1]
    hu = jnp.take(h, edge_index[0], axis=0)
    hv = jnp.take(h, edge_index[1], axis=0)
    return jnp.sum(hu * hv, axis=-1, keepdims=True)


def reference(block_outputs, pos_edge_index, neg_edge_index):
    pos_score = _u_dot_v(block_outputs, pos_edge_index)
    neg_score = _u_dot_v(block_outputs, neg_edge_index)
    score = jnp.concatenate([pos_score, neg_score], axis=0)
    label = jnp.concatenate(
        [jnp.ones_like(pos_score), jnp.zeros_like(neg_score)], axis=0
    )
    # binary_cross_entropy_with_logits, mean reduction (numerically stable form)
    loss = jnp.mean(
        jnp.maximum(score, 0.0) - score * label + jnp.log1p(jnp.exp(-jnp.abs(score)))
    )
    return loss

if __name__ == "__main__":
    import jax
    _d = setup_inputs()
    print(jax.jit(kernel)(*tuple(_d.values())))

</pallas_src>

<mosaic_0001>
#map = affine_map<(d0, d1) -> (0)>
module attributes {stable_mosaic.version = 14 : i64} {
  func.func @_sc_partial_dots(%arg0: i32, %arg1: i32, %arg2: memref<640000xi32, #tpu.memory_space<hbm>>, %arg3: memref<640000xi32, #tpu.memory_space<hbm>>, %arg4: memref<640000xi32, #tpu.memory_space<hbm>>, %arg5: memref<10240000xf32, #tpu.memory_space<hbm>>, %arg6: memref<40000xi32, #tpu.memory_space<vmem>>, %arg7: memref<10000xi32, #tpu.memory_space<vmem>>, %arg8: memref<10000xi32, #tpu.memory_space<vmem>>, %arg9: memref<10000xf32, #tpu.memory_space<vmem>>, %arg10: memref<10000xi32, #tpu.memory_space<vmem>>, %arg11: memref<10000xi32, #tpu.memory_space<vmem>>, %arg12: memref<10000xf32, #tpu.memory_space<vmem>>, %arg13: memref<!tpu.dma_semaphore, #tpu.memory_space<semaphore_mem>>, %arg14: memref<!tpu.dma_semaphore, #tpu.memory_space<semaphore_mem>>, %arg15: memref<!tpu.dma_semaphore, #tpu.memory_space<semaphore_mem>>, %arg16: memref<!tpu.dma_semaphore, #tpu.memory_space<semaphore_mem>>) attributes {dimension_semantics = [#tpu.dimension_semantics<core_parallel>, #tpu.dimension_semantics<subcore_parallel>], iteration_bounds = array<i64: 2, 16>, scalar_prefetch = 0 : i64, scratch_operands = 11 : i64, tpu.core_type = #tpu.core_type<sc_vector_subcore>, window_params = [{transform_indices = #map}, {transform_indices = #map}, {transform_indices = #map}, {transform_indices = #map}]} {
    %mul3A = arith.constant 40000 : i32
    %mul3A_0 = arith.muli %arg1, %mul3A : i32
    %add3A = arith.constant 0 : i32
    %add3A_1 = arith.addi %mul3A_0, %add3A : i32
    "tpu.region"() ({
      %run_scoped3A = tpu.sem_alloc : memref<!tpu.dma_semaphore, #tpu.memory_space<semaphore_mem>>
      %dma_start3A = arith.constant 0 : i32
      %dma_start3A_31 = tpu.memref_slice %arg6[%dma_start3A] : memref<40000xi32, #tpu.memory_space<vmem>> -> memref<8000xi32, #tpu.memory_space<vmem>>
      %dma_start3A_32 = tpu.memref_slice %arg2[%add3A_1] : memref<640000xi32, #tpu.memory_space<hbm>> -> memref<8000xi32, #tpu.memory_space<hbm>>
      %dma_start3A_33 = arith.constant 0 : i32
      %dma_start3A_34 = tpu.memref_slice %arg6[%dma_start3A_33] : memref<40000xi32, #tpu.memory_space<vmem>> -> memref<8000xi32, #tpu.memory_space<vmem>>
      %dma_start3A_35 = tpu.memref_slice %arg2[%add3A_1] : memref<640000xi32, #tpu.memory_space<hbm>> -> memref<8000xi32, #tpu.memory_space<hbm>>
      tpu.enqueue_dma source(%dma_start3A_35 : memref<8000xi32, #tpu.memory_space<hbm>>) target(%dma_start3A_34 : memref<8000xi32, #tpu.memory_space<vmem>>) target_semaphore(%run_scoped3A : memref<!tpu.dma_semaphore, #tpu.memory_space<semaphore_mem>>)
      %dma_wait3A_36 = arith.constant 0 : i32
      %dma_wait3A_37 = tpu.memref_slice %arg6[%dma_wait3A_36] : memref<40000xi32, #tpu.memory_space<vmem>> -> memref<8000xi32, #tpu.memory_space<vmem>>
      %dma_wait3A_38 = tpu.memref_slice %arg2[%add3A_1] : memref<640000xi32, #tpu.memory_space<hbm>> -> memref<8000xi32, #tpu.memory_space<hbm>>
      %dma_wait3A_39 = arith.constant 0 : i32
      %dma_wait3A_40 = tpu.memref_slice %arg6[%dma_wait3A_39] : memref<40000xi32, #tpu.memory_space<vmem>> -> memref<8000xi32, #tpu.memory_space<vmem>>
      %dma_wait3A_41 = tpu.memref_slice %arg2[%add3A_1] : memref<640000xi32, #tpu.memory_space<hbm>> -> memref<8000xi32, #tpu.memory_space<hbm>>
      tpu.wait_dma2 semaphore(%run_scoped3A : memref<!tpu.dma_semaphore, #tpu.memory_space<semaphore_mem>>) src(%dma_wait3A_41 : memref<8000xi32, #tpu.memory_space<hbm>>) dst(%dma_wait3A_40 : memref<8000xi32, #tpu.memory_space<vmem>>)
      tpu.yield
    }) : () -> ()
    %add3A_2 = arith.constant 8000 : i32
    %add3A_3 = arith.addi %mul3A_0, %add3A_2 : i32
    "tpu.region"() ({
      %run_scoped3A = tpu.sem_alloc : memref<!tpu.dma_semaphore, #tpu.memory_space<semaphore_mem>>
      %dma_start3A = arith.constant 8000 : i32
      %dma_start3A_31 = tpu.memref_slice %arg6[%dma_start3A] : memref<40000xi32, #tpu.memory_space<vmem>> -> memref<8000xi32, #tpu.memory_space<vmem>>
      %dma_start3A_32 = tpu.memref_slice %arg2[%add3A_3] : memref<640000xi32, #tpu.memory_space<hbm>> -> memref<8000xi32, #tpu.memory_space<hbm>>
      %dma_start3A_33 = arith.constant 8000 : i32
      %dma_start3A_34 = tpu.memref_slice %arg6[%dma_start3A_33] : memref<40000xi32, #tpu.memory_space<vmem>> -> memref<8000xi32, #tpu.memory_space<vmem>>
      %dma_start3A_35 = tpu.memref_slice %arg2[%add3A_3] : memref<640000xi32, #tpu.memory_space<hbm>> -> memref<8000xi32, #tpu.memory_space<hbm>>
      tpu.enqueue_dma source(%dma_start3A_35 : memref<8000xi32, #tpu.memory_space<hbm>>) target(%dma_start3A_34 : memref<8000xi32, #tpu.memory_space<vmem>>) target_semaphore(%run_scoped3A : memref<!tpu.dma_semaphore, #tpu.memory_space<semaphore_mem>>)
      %dma_wait3A_36 = arith.constant 8000 : i32
      %dma_wait3A_37 = tpu.memref_slice %arg6[%dma_wait3A_36] : memref<40000xi32, #tpu.memory_space<vmem>> -> memref<8000xi32, #tpu.memory_space<vmem>>
      %dma_wait3A_38 = tpu.memref_slice %arg2[%add3A_3] : memref<640000xi32, #tpu.memory_space<hbm>> -> memref<8000xi32, #tpu.memory_space<hbm>>
      %dma_wait3A_39 = arith.constant 8000 : i32
      %dma_wait3A_40 = tpu.memref_slice %arg6[%dma_wait3A_39] : memref<40000xi32, #tpu.memory_space<vmem>> -> memref<8000xi32, #tpu.memory_space<vmem>>
      %dma_wait3A_41 = tpu.memref_slice %arg2[%add3A_3] : memref<640000xi32, #tpu.memory_space<hbm>> -> memref<8000xi32, #tpu.memory_space<hbm>>
      tpu.wait_dma2 semaphore(%run_scoped3A : memref<!tpu.dma_semaphore, #tpu.memory_space<semaphore_mem>>) src(%dma_wait3A_41 : memref<8000xi32, #tpu.memory_space<hbm>>) dst(%dma_wait3A_40 : memref<8000xi32, #tpu.memory_space<vmem>>)
      tpu.yield
    }) : () -> ()
    %add3A_4 = arith.constant 16000 : i32
    %add3A_5 = arith.addi %mul3A_0, %add3A_4 : i32
    "tpu.region"() ({
      %run_scoped3A = tpu.sem_alloc : memref<!tpu.dma_semaphore, #tpu.memory_space<semaphore_mem>>
      %dma_start3A = arith.constant 16000 : i32
      %dma_start3A_31 = tpu.memref_slice %arg6[%dma_start3A] : memref<40000xi32, #tpu.memory_space<vmem>> -> memref<8000xi32, #tpu.memory_space<vmem>>
      %dma_start3A_32 = tpu.memref_slice %arg2[%add3A_5] : memref<640000xi32, #tpu.memory_space<hbm>> -> memref<8000xi32, #tpu.memory_space<hbm>>
      %dma_start3A_33 = arith.constant 16000 : i32
      %dma_start3A_34 = tpu.memref_slice %arg6[%dma_start3A_33] : memref<40000xi32, #tpu.memory_space<vmem>> -> memref<8000xi32, #tpu.memory_space<vmem>>
      %dma_start3A_35 = tpu.memref_slice %arg2[%add3A_5] : memref<640000xi32, #tpu.memory_space<hbm>> -> memref<8000xi32, #tpu.memory_space<hbm>>
      tpu.enqueue_dma source(%dma_start3A_35 : memref<8000xi32, #tpu.memory_space<hbm>>) target(%dma_start3A_34 : memref<8000xi32, #tpu.memory_space<vmem>>) target_semaphore(%run_scoped3A : memref<!tpu.dma_semaphore, #tpu.memory_space<semaphore_mem>>)
      %dma_wait3A_36 = arith.constant 16000 : i32
      %dma_wait3A_37 = tpu.memref_slice %arg6[%dma_wait3A_36] : memref<40000xi32, #tpu.memory_space<vmem>> -> memref<8000xi32, #tpu.memory_space<vmem>>
      %dma_wait3A_38 = tpu.memref_slice %arg2[%add3A_5] : memref<640000xi32, #tpu.memory_space<hbm>> -> memref<8000xi32, #tpu.memory_space<hbm>>
      %dma_wait3A_39 = arith.constant 16000 : i32
      %dma_wait3A_40 = tpu.memref_slice %arg6[%dma_wait3A_39] : memref<40000xi32, #tpu.memory_space<vmem>> -> memref<8000xi32, #tpu.memory_space<vmem>>
      %dma_wait3A_41 = tpu.memref_slice %arg2[%add3A_5] : memref<640000xi32, #tpu.memory_space<hbm>> -> memref<8000xi32, #tpu.memory_space<hbm>>
      tpu.wait_dma2 semaphore(%run_scoped3A : memref<!tpu.dma_semaphore, #tpu.memory_space<semaphore_mem>>) src(%dma_wait3A_41 : memref<8000xi32, #tpu.memory_space<hbm>>) dst(%dma_wait3A_40 : memref<8000xi32, #tpu.memory_space<vmem>>)
      tpu.yield
    }) : () -> ()
    %add3A_6 = arith.constant 24000 : i32
    %add3A_7 = arith.addi %mul3A_0, %add3A_6 : i32
    "tpu.region"() ({
      %run_scoped3A = tpu.sem_alloc : memref<!tpu.dma_semaphore, #tpu.memory_space<semaphore_mem>>
      %dma_start3A = arith.constant 24000 : i32
      %dma_start3A_31 = tpu.memref_slice %arg6[%dma_start3A] : memref<40000xi32, #tpu.memory_space<vmem>> -> memref<8000xi32, #tpu.memory_space<vmem>>
      %dma_start3A_32 = tpu.memref_slice %arg2[%add3A_7] : memref<640000xi32, #tpu.memory_space<hbm>> -> memref<8000xi32, #tpu.memory_space<hbm>>
      %dma_start3A_33 = arith.constant 24000 : i32
      %dma_start3A_34 = tpu.memref_slice %arg6[%dma_start3A_33] : memref<40000xi32, #tpu.memory_space<vmem>> -> memref<8000xi32, #tpu.memory_space<vmem>>
      %dma_start3A_35 = tpu.memref_slice %arg2[%add3A_7] : memref<640000xi32, #tpu.memory_space<hbm>> -> memref<8000xi32, #tpu.memory_space<hbm>>
      tpu.enqueue_dma source(%dma_start3A_35 : memref<8000xi32, #tpu.memory_space<hbm>>) target(%dma_start3A_34 : memref<8000xi32, #tpu.memory_space<vmem>>) target_semaphore(%run_scoped3A : memref<!tpu.dma_semaphore, #tpu.memory_space<semaphore_mem>>)
      %dma_wait3A_36 = arith.constant 24000 : i32
      %dma_wait3A_37 = tpu.memref_slice %arg6[%dma_wait3A_36] : memref<40000xi32, #tpu.memory_space<vmem>> -> memref<8000xi32, #tpu.memory_space<vmem>>
      %dma_wait3A_38 = tpu.memref_slice %arg2[%add3A_7] : memref<640000xi32, #tpu.memory_space<hbm>> -> memref<8000xi32, #tpu.memory_space<hbm>>
      %dma_wait3A_39 = arith.constant 24000 : i32
      %dma_wait3A_40 = tpu.memref_slice %arg6[%dma_wait3A_39] : memref<40000xi32, #tpu.memory_space<vmem>> -> memref<8000xi32, #tpu.memory_space<vmem>>
      %dma_wait3A_41 = tpu.memref_slice %arg2[%add3A_7] : memref<640000xi32, #tpu.memory_space<hbm>> -> memref<8000xi32, #tpu.memory_space<hbm>>
      tpu.wait_dma2 semaphore(%run_scoped3A : memref<!tpu.dma_semaphore, #tpu.memory_space<semaphore_mem>>) src(%dma_wait3A_41 : memref<8000xi32, #tpu.memory_space<hbm>>) dst(%dma_wait3A_40 : memref<8000xi32, #tpu.memory_space<vmem>>)
      tpu.yield
    }) : () -> ()
    %add3A_8 = arith.constant 32000 : i32
    %add3A_9 = arith.addi %mul3A_0, %add3A_8 : i32
    "tpu.region"() ({
      %run_scoped3A = tpu.sem_alloc : memref<!tpu.dma_semaphore, #tpu.memory_space<semaphore_mem>>
      %dma_start3A = arith.constant 32000 : i32
      %dma_start3A_31 = tpu.memref_slice %arg6[%dma_start3A] : memref<40000xi32, #tpu.memory_space<vmem>> -> memref<8000xi32, #tpu.memory_space<vmem>>
      %dma_start3A_32 = tpu.memref_slice %arg2[%add3A_9] : memref<640000xi32, #tpu.memory_space<hbm>> -> memref<8000xi32, #tpu.memory_space<hbm>>
      %dma_start3A_33 = arith.constant 32000 : i32
      %dma_start3A_34 = tpu.memref_slice %arg6[%dma_start3A_33] : memref<40000xi32, #tpu.memory_space<vmem>> -> memref<8000xi32, #tpu.memory_space<vmem>>
      %dma_start3A_35 = tpu.memref_slice %arg2[%add3A_9] : memref<640000xi32, #tpu.memory_space<hbm>> -> memref<8000xi32, #tpu.memory_space<hbm>>
      tpu.enqueue_dma source(%dma_start3A_35 : memref<8000xi32, #tpu.memory_space<hbm>>) target(%dma_start3A_34 : memref<8000xi32, #tpu.memory_space<vmem>>) target_semaphore(%run_scoped3A : memref<!tpu.dma_semaphore, #tpu.memory_space<semaphore_mem>>)
      %dma_wait3A_36 = arith.constant 32000 : i32
      %dma_wait3A_37 = tpu.memref_slice %arg6[%dma_wait3A_36] : memref<40000xi32, #tpu.memory_space<vmem>> -> memref<8000xi32, #tpu.memory_space<vmem>>
      %dma_wait3A_38 = tpu.memref_slice %arg2[%add3A_9] : memref<640000xi32, #tpu.memory_space<hbm>> -> memref<8000xi32, #tpu.memory_space<hbm>>
      %dma_wait3A_39 = arith.constant 32000 : i32
      %dma_wait3A_40 = tpu.memref_slice %arg6[%dma_wait3A_39] : memref<40000xi32, #tpu.memory_space<vmem>> -> memref<8000xi32, #tpu.memory_space<vmem>>
      %dma_wait3A_41 = tpu.memref_slice %arg2[%add3A_9] : memref<640000xi32, #tpu.memory_space<hbm>> -> memref<8000xi32, #tpu.memory_space<hbm>>
      tpu.wait_dma2 semaphore(%run_scoped3A : memref<!tpu.dma_semaphore, #tpu.memory_space<semaphore_mem>>) src(%dma_wait3A_41 : memref<8000xi32, #tpu.memory_space<hbm>>) dst(%dma_wait3A_40 : memref<8000xi32, #tpu.memory_space<vmem>>)
      tpu.yield
    }) : () -> ()
    %mul3A_10 = arith.constant 320000 : i32
    %mul3A_11 = arith.muli %arg0, %mul3A_10 : i32
    %eq3A = arith.constant 0 : i32
    %eq3A_12 = arith.cmpi eq, %arg0, %eq3A : i32
    %convert_element_type3A = arith.extui %eq3A_12 : i1 to i32
    %cond3A = arith.constant 0 : i32
    %cond3A_13 = arith.cmpi ne, %convert_element_type3A, %cond3A : i32
    scf.if %cond3A_13 {
      %dma_start3A = arith.constant 0 : i32
      %dma_start3A_31 = tpu.memref_slice %arg3[%dma_start3A] : memref<640000xi32, #tpu.memory_space<hbm>> -> memref<10000xi32, #tpu.memory_space<hbm>>
      %dma_start3A_32 = arith.constant 0 : i32
      %dma_start3A_33 = tpu.memref_slice %arg3[%dma_start3A_32] : memref<640000xi32, #tpu.memory_space<hbm>> -> memref<10000xi32, #tpu.memory_space<hbm>>
      tpu.enqueue_dma source(%dma_start3A_33 : memref<10000xi32, #tpu.memory_space<hbm>>) target(%arg7 : memref<10000xi32, #tpu.memory_space<vmem>>) target_semaphore(%arg13 : memref<!tpu.dma_semaphore, #tpu.memory_space<semaphore_mem>>)
      %dma_start3A_34 = arith.constant 320000 : i32
      %dma_start3A_35 = tpu.memref_slice %arg3[%dma_start3A_34] : memref<640000xi32, #tpu.memory_space<hbm>> -> memref<10000xi32, #tpu.memory_space<hbm>>
      %dma_start3A_36 = arith.constant 320000 : i32
      %dma_start3A_37 = tpu.memref_slice %arg3[%dma_start3A_36] : memref<640000xi32, #tpu.memory_space<hbm>> -> memref<10000xi32, #tpu.memory_space<hbm>>
      tpu.enqueue_dma source(%dma_start3A_37 : memref<10000xi32, #tpu.memory_space<hbm>>) target(%arg8 : memref<10000xi32, #tpu.memory_space<vmem>>) target_semaphore(%arg13 : memref<!tpu.dma_semaphore, #tpu.memory_space<semaphore_mem>>)
    } else {
    }
    %eq3A_14 = arith.constant 1 : i32
    %eq3A_15 = arith.cmpi eq, %arg0, %eq3A_14 : i32
    %convert_element_type3A_16 = arith.extui %eq3A_15 : i1 to i32
    %cond3A_17 = arith.constant 0 : i32
    %cond3A_18 = arith.cmpi ne, %convert_element_type3A_16, %cond3A_17 : i32
    scf.if %cond3A_18 {
      %dma_start3A = arith.constant 0 : i32
      %dma_start3A_31 = tpu.memref_slice %arg4[%dma_start3A] : memref<640000xi32, #tpu.memory_space<hbm>> -> memref<10000xi32, #tpu.memory_space<hbm>>
      %dma_start3A_32 = arith.constant 0 : i32
      %dma_start3A_33 = tpu.memref_slice %arg4[%dma_start3A_32] : memref<640000xi32, #tpu.memory_space<hbm>> -> memref<10000xi32, #tpu.memory_space<hbm>>
      tpu.enqueue_dma source(%dma_start3A_33 : memref<10000xi32, #tpu.memory_space<hbm>>) target(%arg7 : memref<10000xi32, #tpu.memory_space<vmem>>) target_semaphore(%arg13 : memref<!tpu.dma_semaphore, #tpu.memory_space<semaphore_mem>>)
      %dma_start3A_34 = arith.constant 320000 : i32
      %dma_start3A_35 = tpu.memref_slice %arg4[%dma_start3A_34] : memref<640000xi32, #tpu.memory_space<hbm>> -> memref<10000xi32, #tpu.memory_space<hbm>>
      %dma_start3A_36 = arith.constant 320000 : i32
      %dma_start3A_37 = tpu.memref_slice %arg4[%dma_start3A_36] : memref<640000xi32, #tpu.memory_space<hbm>> -> memref<10000xi32, #tpu.memory_space<hbm>>
      tpu.enqueue_dma source(%dma_start3A_37 : memref<10000xi32, #tpu.memory_space<hbm>>) target(%arg8 : memref<10000xi32, #tpu.memory_space<vmem>>) target_semaphore(%arg13 : memref<!tpu.dma_semaphore, #tpu.memory_space<semaphore_mem>>)
    } else {
    }
    %scan3A = arith.constant 0 : i32
    %scan3A_19 = arith.constant 0 : i32
    %scan3A_20 = arith.constant 16 : i32
    %scan3A_21 = arith.addi %scan3A_19, %scan3A_20 : i32
    %scan3A_22 = arith.constant 1 : i32
    scf.for %scan3A_31 = %scan3A_19 to %scan3A_21 step %scan3A_22  : i32 {
      %mul3A_32 = arith.constant 2 : i32
      %mul3A_33 = arith.muli %mul3A_32, %scan3A_31 : i32
      %add3A_34 = arith.constant 1 : i32
      %add3A_35 = arith.addi %mul3A_33, %add3A_34 : i32
      %mul3A_36 = arith.constant 10000 : i32
      %mul3A_37 = arith.muli %add3A_35, %mul3A_36 : i32
      %eq3A_38 = arith.constant 0 : i32
      %eq3A_39 = arith.cmpi eq, %arg0, %eq3A_38 : i32
      %convert_element_type3A_40 = arith.extui %eq3A_39 : i1 to i32
      %cond3A_41 = arith.constant 0 : i32
      %cond3A_42 = arith.cmpi ne, %convert_element_type3A_40, %cond3A_41 : i32
      scf.if %cond3A_42 {
        %dma_start3A_99 = tpu.memref_slice %arg3[%mul3A_37] : memref<640000xi32, #tpu.memory_space<hbm>> -> memref<10000xi32, #tpu.memory_space<hbm>>
        %dma_start3A_100 = tpu.memref_slice %arg3[%mul3A_37] : memref<640000xi32, #tpu.memory_space<hbm>> -> memref<10000xi32, #tpu.memory_space<hbm>>
        tpu.enqueue_dma source(%dma_start3A_100 : memref<10000xi32, #tpu.memory_space<hbm>>) target(%arg10 : memref<10000xi32, #tpu.memory_space<vmem>>) target_semaphore(%arg14 : memref<!tpu.dma_semaphore, #tpu.memory_space<semaphore_mem>>)
        %add3A_101 = arith.constant 320000 : i32
        %add3A_102 = arith.addi %add3A_101, %mul3A_37 : i32
        %dma_start3A_103 = tpu.memref_slice %arg3[%add3A_102] : memref<640000xi32, #tpu.memory_space<hbm>> -> memref<10000xi32, #tpu.memory_space<hbm>>
        %dma_start3A_104 = tpu.memref_slice %arg3[%add3A_102] : memref<640000xi32, #tpu.memory_space<hbm>> -> memref<10000xi32, #tpu.memory_space<hbm>>
        tpu.enqueue_dma source(%dma_start3A_104 : memref<10000xi32, #tpu.memory_space<hbm>>) target(%arg11 : memref<10000xi32, #tpu.memory_space<vmem>>) target_semaphore(%arg14 : memref<!tpu.dma_semaphore, #tpu.memory_space<semaphore_mem>>)
      } else {
      }
      %eq3A_43 = arith.constant 1 : i32
      %eq3A_44 = arith.cmpi eq, %arg0, %eq3A_43 : i32
      %convert_element_type3A_45 = arith.extui %eq3A_44 : i1 to i32
      %cond3A_46 = arith.constant 0 : i32
      %cond3A_47 = arith.cmpi ne, %convert_element_type3A_45, %cond3A_46 : i32
      scf.if %cond3A_47 {
        %dma_start3A_99 = tpu.memref_slice %arg4[%mul3A_37] : memref<640000xi32, #tpu.memory_space<hbm>> -> memref<10000xi32, #tpu.memory_space<hbm>>
        %dma_start3A_100 = tpu.memref_slice %arg4[%mul3A_37] : memref<640000xi32, #tpu.memory_space<hbm>> -> memref<10000xi32, #tpu.memory_space<hbm>>
        tpu.enqueue_dma source(%dma_start3A_100 : memref<10000xi32, #tpu.memory_space<hbm>>) target(%arg10 : memref<10000xi32, #tpu.memory_space<vmem>>) target_semaphore(%arg14 : memref<!tpu.dma_semaphore, #tpu.memory_space<semaphore_mem>>)
        %add3A_101 = arith.constant 320000 : i32
        %add3A_102 = arith.addi %add3A_101, %mul3A_37 : i32
        %dma_start3A_103 = tpu.memref_slice %arg4[%add3A_102] : memref<640000xi32, #tpu.memory_space<hbm>> -> memref<10000xi32, #tpu.memory_space<hbm>>
        %dma_start3A_104 = tpu.memref_slice %arg4[%add3A_102] : memref<640000xi32, #tpu.memory_space<hbm>> -> memref<10000xi32, #tpu.memory_space<hbm>>
        tpu.enqueue_dma source(%dma_start3A_104 : memref<10000xi32, #tpu.memory_space<hbm>>) target(%arg11 : memref<10000xi32, #tpu.memory_space<vmem>>) target_semaphore(%arg14 : memref<!tpu.dma_semaphore, #tpu.memory_space<semaphore_mem>>)
      } else {
      }
      %dma_wait3A_48 = arith.constant 0 : i32
      %dma_wait3A_49 = tpu.memref_slice %arg3[%dma_wait3A_48] : memref<640000xi32, #tpu.memory_space<hbm>> -> memref<10000xi32, #tpu.memory_space<hbm>>
      %dma_wait3A_50 = arith.constant 0 : i32
      %dma_wait3A_51 = tpu.memref_slice %arg3[%dma_wait3A_50] : memref<640000xi32, #tpu.memory_space<hbm>> -> memref<10000xi32, #tpu.memory_space<hbm>>
      tpu.wait_dma2 semaphore(%arg13 : memref<!tpu.dma_semaphore, #tpu.memory_space<semaphore_mem>>) src(%dma_wait3A_51 : memref<10000xi32, #tpu.memory_space<hbm>>) dst(%arg7 : memref<10000xi32, #tpu.memory_space<vmem>>)
      %dma_wait3A_52 = arith.constant 0 : i32
      %dma_wait3A_53 = tpu.memref_slice %arg3[%dma_wait3A_52] : memref<640000xi32, #tpu.memory_space<hbm>> -> memref<10000xi32, #tpu.memory_space<hbm>>
      %dma_wait3A_54 = arith.constant 0 : i32
      %dma_wait3A_55 = tpu.memref_slice %arg3[%dma_wait3A_54] : memref<640000xi32, #tpu.memory_space<hbm>> -> memref<10000xi32, #tpu.memory_space<hbm>>
      tpu.wait_dma2 semaphore(%arg13 : memref<!tpu.dma_semaphore, #tpu.memory_space<semaphore_mem>>) src(%dma_wait3A_55 : memref<10000xi32, #tpu.memory_space<hbm>>) dst(%arg8 : memref<10000xi32, #tpu.memory_space<vmem>>)
      %gt3A = arith.constant 0 : i32
      %gt3A_56 = arith.cmpi sgt, %scan3A_31, %gt3A : i32
      %convert_element_type3A_57 = arith.extui %gt3A_56 : i1 to i32
      %cond3A_58 = arith.constant 0 : i32
      %cond3A_59 = arith.cmpi ne, %convert_element_type3A_57, %cond3A_58 : i32
      scf.if %cond3A_59 {
        %dma_wait3A_99 = arith.constant 0 : i32
        %dma_wait3A_100 = tpu.memref_slice %arg5[%dma_wait3A_99] : memref<10240000xf32, #tpu.memory_space<hbm>> -> memref<10000xf32, #tpu.memory_space<hbm>>
        %dma_wait3A_101 = arith.constant 0 : i32
        %dma_wait3A_102 = tpu.memref_slice %arg5[%dma_wait3A_101] : memref<10240000xf32, #tpu.memory_space<hbm>> -> memref<10000xf32, #tpu.memory_space<hbm>>
        tpu.wait_dma2 semaphore(%arg15 : memref<!tpu.dma_semaphore, #tpu.memory_space<semaphore_mem>>) src(%arg9 : memref<10000xf32, #tpu.memory_space<vmem>>) dst(%dma_wait3A_102 : memref<10000xf32, #tpu.memory_space<hbm>>)
      } else {
      }
      %parallel_loop3A = arith.constant 0 : i32
      %parallel_loop3A_60 = arith.constant 10000 : i32
      %parallel_loop3A_61 = arith.constant 16 : i32
      scf.for %parallel_loop3A_99 = %parallel_loop3A to %parallel_loop3A_60 step %parallel_loop3A_61  : i32 {
        %parallel_loop3A_100 = arith.index_cast %parallel_loop3A_99 : i32 to index
        %parallel_loop3A_101 = tpu.vector_load %arg7[%parallel_loop3A_100] {strides = array<i32>} : memref<10000xi32, #tpu.memory_space<vmem>>, vector<16xi32>,
        %parallel_loop3A_102 = arith.index_cast %parallel_loop3A_99 : i32 to index
        %parallel_loop3A_103 = tpu.vector_load %arg8[%parallel_loop3A_102] {strides = array<i32>} : memref<10000xi32, #tpu.memory_space<vmem>>, vector<16xi32>,
        %parallel_loop3A_104 = arith.constant 0 : i32
        %parallel_loop3A_105 = vector.broadcast %parallel_loop3A_104 : i32 to vector<16xi32>
        %parallel_loop3A_106 = arith.addi %parallel_loop3A_101, %parallel_loop3A_105 : vector<16xi32>
        %parallel_loop3A_107 = tpu.vector_load_idx %arg6[%parallel_loop3A_106] : memref<40000xi32, #tpu.memory_space<vmem>>[vector<16xi32>], vector<16xi32>,
        %parallel_loop3A_108 = arith.constant 0 : i32
        %parallel_loop3A_109 = vector.broadcast %parallel_loop3A_108 : i32 to vector<16xi32>
        %parallel_loop3A_110 = arith.addi %parallel_loop3A_103, %parallel_loop3A_109 : vector<16xi32>
        %parallel_loop3A_111 = tpu.vector_load_idx %arg6[%parallel_loop3A_110] : memref<40000xi32, #tpu.memory_space<vmem>>[vector<16xi32>], vector<16xi32>,
        %parallel_loop3A_112 = vector.bitcast %parallel_loop3A_107 : vector<16xi32> to vector<32xbf16>
        %parallel_loop3A_113 = vector.bitcast %parallel_loop3A_111 : vector<16xi32> to vector<32xbf16>
        %parallel_loop3A_114 = arith.mulf %parallel_loop3A_112, %parallel_loop3A_113 : vector<32xbf16>
        %parallel_loop3A_115 = tpu.unpack_subelements %parallel_loop3A_114, 0 {pack_format = #tpu.pack_format<interleaved>} : vector<32xbf16> -> vector<16xf32>
        %parallel_loop3A_116 = tpu.unpack_subelements %parallel_loop3A_114, 1 {pack_format = #tpu.pack_format<interleaved>} : vector<32xbf16> -> vector<16xf32>
        %parallel_loop3A_117 = arith.addf %parallel_loop3A_115, %parallel_loop3A_116 : vector<16xf32>
        %parallel_loop3A_118 = arith.constant 10000 : i32
        %parallel_loop3A_119 = vector.broadcast %parallel_loop3A_118 : i32 to vector<16xi32>
        %parallel_loop3A_120 = arith.addi %parallel_loop3A_101, %parallel_loop3A_119 : vector<16xi32>
        %parallel_loop3A_121 = tpu.vector_load_idx %arg6[%parallel_loop3A_120] : memref<40000xi32, #tpu.memory_space<vmem>>[vector<16xi32>], vector<16xi32>,
        %parallel_loop3A_122 = arith.constant 10000 : i32
        %parallel_loop3A_123 = vector.broadcast %parallel_loop3A_122 : i32 to vector<16xi32>
        %parallel_loop3A_124 = arith.addi %parallel_loop3A_103, %parallel_loop3A_123 : vector<16xi32>
        %parallel_loop3A_125 = tpu.vector_load_idx %arg6[%parallel_loop3A_124] : memref<40000xi32, #tpu.memory_space<vmem>>[vector<16xi32>], vector<16xi32>,
        %parallel_loop3A_126 = vector.bitcast %parallel_loop3A_121 : vector<16xi32> to vector<32xbf16>
        %parallel_loop3A_127 = vector.bitcast %parallel_loop3A_125 : vector<16xi32> to vector<32xbf16>
        %parallel_loop3A_128 = arith.mulf %parallel_loop3A_126, %parallel_loop3A_127 : vector<32xbf16>
        %parallel_loop3A_129 = tpu.unpack_subelements %parallel_loop3A_128, 0 {pack_format = #tpu.pack_format<interleaved>} : vector<32xbf16> -> vector<16xf32>
        %parallel_loop3A_130 = tpu.unpack_subelements %parallel_loop3A_128, 1 {pack_format = #tpu.pack_format<interleaved>} : vector<32xbf16> -> vector<16xf32>
        %parallel_loop3A_131 = arith.addf %parallel_loop3A_129, %parallel_loop3A_130 : vector<16xf32>
        %parallel_loop3A_132 = arith.constant 20000 : i32
        %parallel_loop3A_133 = vector.broadcast %parallel_loop3A_132 : i32 to vector<16xi32>
        %parallel_loop3A_134 = arith.addi %parallel_loop3A_101, %parallel_loop3A_133 : vector<16xi32>
        %parallel_loop3A_135 = tpu.vector_load_idx %arg6[%parallel_loop3A_134] : memref<40000xi32, #tpu.memory_space<vmem>>[vector<16xi32>], vector<16xi32>,
        %parallel_loop3A_136 = arith.constant 20000 : i32
        %parallel_loop3A_137 = vector.broadcast %parallel_loop3A_136 : i32 to vector<16xi32>
        %parallel_loop3A_138 = arith.addi %parallel_loop3A_103, %parallel_loop3A_137 : vector<16xi32>
        %parallel_loop3A_139 = tpu.vector_load_idx %arg6[%parallel_loop3A_138] : memref<40000xi32, #tpu.memory_space<vmem>>[vector<16xi32>], vector<16xi32>,
        %parallel_loop3A_140 = vector.bitcast %parallel_loop3A_135 : vector<16xi32> to vector<32xbf16>
        %parallel_loop3A_141 = vector.bitcast %parallel_loop3A_139 : vector<16xi32> to vector<32xbf16>
        %parallel_loop3A_142 = arith.mulf %parallel_loop3A_140, %parallel_loop3A_141 : vector<32xbf16>
        %parallel_loop3A_143 = tpu.unpack_subelements %parallel_loop3A_142, 0 {pack_format = #tpu.pack_format<interleaved>} : vector<32xbf16> -> vector<16xf32>
        %parallel_loop3A_144 = tpu.unpack_subelements %parallel_loop3A_142, 1 {pack_format = #tpu.pack_format<interleaved>} : vector<32xbf16> -> vector<16xf32>
        %parallel_loop3A_145 = arith.addf %parallel_loop3A_143, %parallel_loop3A_144 : vector<16xf32>
        %parallel_loop3A_146 = arith.constant 30000 : i32
        %parallel_loop3A_147 = vector.broadcast %parallel_loop3A_146 : i32 to vector<16xi32>
        %parallel_loop3A_148 = arith.addi %parallel_loop3A_101, %parallel_loop3A_147 : vector<16xi32>
        %parallel_loop3A_149 = tpu.vector_load_idx %arg6[%parallel_loop3A_148] : memref<40000xi32, #tpu.memory_space<vmem>>[vector<16xi32>], vector<16xi32>,
        %parallel_loop3A_150 = arith.constant 30000 : i32
        %parallel_loop3A_151 = vector.broadcast %parallel_loop3A_150 : i32 to vector<16xi32>
        %parallel_loop3A_152 = arith.addi %parallel_loop3A_103, %parallel_loop3A_151 : vector<16xi32>
        %parallel_loop3A_153 = tpu.vector_load_idx %arg6[%parallel_loop3A_152] : memref<40000xi32, #tpu.memory_space<vmem>>[vector<16xi32>], vector<16xi32>,
        %parallel_loop3A_154 = vector.bitcast %parallel_loop3A_149 : vector<16xi32> to vector<32xbf16>
        %parallel_loop3A_155 = vector.bitcast %parallel_loop3A_153 : vector<16xi32> to vector<32xbf16>
        %parallel_loop3A_156 = arith.mulf %parallel_loop3A_154, %parallel_loop3A_155 : vector<32xbf16>
        %parallel_loop3A_157 = tpu.unpack_subelements %parallel_loop3A_156, 0 {pack_format = #tpu.pack_format<interleaved>} : vector<32xbf16> -> vector<16xf32>
        %parallel_loop3A_158 = tpu.unpack_subelements %parallel_loop3A_156, 1 {pack_format = #tpu.pack_format<interleaved>} : vector<32xbf16> -> vector<16xf32>
        %parallel_loop3A_159 = arith.addf %parallel_loop3A_157, %parallel_loop3A_158 : vector<16xf32>
        %parallel_loop3A_160 = arith.addf %parallel_loop3A_117, %parallel_loop3A_131 : vector<16xf32>
        %parallel_loop3A_161 = arith.addf %parallel_loop3A_145, %parallel_loop3A_159 : vector<16xf32>
        %parallel_loop3A_162 = arith.addf %parallel_loop3A_160, %parallel_loop3A_161 : vector<16xf32>
        %parallel_loop3A_163 = arith.index_cast %parallel_loop3A_99 : i32 to index
        %parallel_loop3A_164 = tpu.vector_load %arg9[%parallel_loop3A_163] {strides = array<i32>} : memref<10000xf32, #tpu.memory_space<vmem>>, vector<16xf32>,
        tpu.vector_store %arg9[%parallel_loop3A_163], %parallel_loop3A_162 {strides = array<i32>} : memref<10000xf32, #tpu.memory_space<vmem>>, vector<16xf32>,
      } {sc.loop_unroll_factor = 8 : i64, sc.parallel_access}
      %mul3A_62 = arith.constant 10000 : i32
      %mul3A_63 = arith.muli %mul3A_33, %mul3A_62 : i32
      %add3A_64 = arith.addi %mul3A_11, %mul3A_63 : i32
      %mul3A_65 = arith.constant 640000 : i32
      %mul3A_66 = arith.muli %arg1, %mul3A_65 : i32
      %add3A_67 = arith.addi %mul3A_66, %add3A_64 : i32
      %dma_start3A = tpu.memref_slice %arg5[%add3A_67] : memref<10240000xf32, #tpu.memory_space<hbm>> -> memref<10000xf32, #tpu.memory_space<hbm>>
      %dma_start3A_68 = tpu.memref_slice %arg5[%add3A_67] : memref<10240000xf32, #tpu.memory_space<hbm>> -> memref<10000xf32, #tpu.memory_space<hbm>>
      tpu.enqueue_dma source(%arg9 : memref<10000xf32, #tpu.memory_space<vmem>>) target(%dma_start3A_68 : memref<10000xf32, #tpu.memory_space<hbm>>) target_semaphore(%arg15 : memref<!tpu.dma_semaphore, #tpu.memory_space<semaphore_mem>>)
      %lt3A = arith.constant 15 : i32
      %lt3A_69 = arith.cmpi slt, %scan3A_31, %lt3A : i32
      %convert_element_type3A_70 = arith.extui %lt3A_69 : i1 to i32
      %cond3A_71 = arith.constant 0 : i32
      %cond3A_72 = arith.cmpi ne, %convert_element_type3A_70, %cond3A_71 : i32
      scf.if %cond3A_72 {
        %add3A_99 = arith.constant 2 : i32
        %add3A_100 = arith.addi %mul3A_33, %add3A_99 : i32
        %mul3A_101 = arith.constant 10000 : i32
        %mul3A_102 = arith.muli %add3A_100, %mul3A_101 : i32
        %eq3A_103 = arith.constant 0 : i32
        %eq3A_104 = arith.cmpi eq, %arg0, %eq3A_103 : i32
        %convert_element_type3A_105 = arith.extui %eq3A_104 : i1 to i32
        %cond3A_106 = arith.constant 0 : i32
        %cond3A_107 = arith.cmpi ne, %convert_element_type3A_105, %cond3A_106 : i32
        scf.if %cond3A_107 {
          %dma_start3A_113 = tpu.memref_slice %arg3[%mul3A_102] : memref<640000xi32, #tpu.memory_space<hbm>> -> memref<10000xi32, #tpu.memory_space<hbm>>
          %dma_start3A_114 = tpu.memref_slice %arg3[%mul3A_102] : memref<640000xi32, #tpu.memory_space<hbm>> -> memref<10000xi32, #tpu.memory_space<hbm>>
          tpu.enqueue_dma source(%dma_start3A_114 : memref<10000xi32, #tpu.memory_space<hbm>>) target(%arg7 : memref<10000xi32, #tpu.memory_space<vmem>>) target_semaphore(%arg13 : memref<!tpu.dma_semaphore, #tpu.memory_space<semaphore_mem>>)
          %add3A_115 = arith.constant 320000 : i32
          %add3A_116 = arith.addi %add3A_115, %mul3A_102 : i32
          %dma_start3A_117 = tpu.memref_slice %arg3[%add3A_116] : memref<640000xi32, #tpu.memory_space<hbm>> -> memref<10000xi32, #tpu.memory_space<hbm>>
          %dma_start3A_118 = tpu.memref_slice %arg3[%add3A_116] : memref<640000xi32, #tpu.memory_space<hbm>> -> memref<10000xi32, #tpu.memory_space<hbm>>
          tpu.enqueue_dma source(%dma_start3A_118 : memref<10000xi32, #tpu.memory_space<hbm>>) target(%arg8 : memref<10000xi32, #tpu.memory_space<vmem>>) target_semaphore(%arg13 : memref<!tpu.dma_semaphore, #tpu.memory_space<semaphore_mem>>)
        } else {
        }
        %eq3A_108 = arith.constant 1 : i32
        %eq3A_109 = arith.cmpi eq, %arg0, %eq3A_108 : i32
        %convert_element_type3A_110 = arith.extui %eq3A_109 : i1 to i32
        %cond3A_111 = arith.constant 0 : i32
        %cond3A_112 = arith.cmpi ne, %convert_element_type3A_110, %cond3A_111 : i32
        scf.if %cond3A_112 {
          %dma_start3A_113 = tpu.memref_slice %arg4[%mul3A_102] : memref<640000xi32, #tpu.memory_space<hbm>> -> memref<10000xi32, #tpu.memory_space<hbm>>
          %dma_start3A_114 = tpu.memref_slice %arg4[%mul3A_102] : memref<640000xi32, #tpu.memory_space<hbm>> -> memref<10000xi32, #tpu.memory_space<hbm>>
          tpu.enqueue_dma source(%dma_start3A_114 : memref<10000xi32, #tpu.memory_space<hbm>>) target(%arg7 : memref<10000xi32, #tpu.memory_space<vmem>>) target_semaphore(%arg13 : memref<!tpu.dma_semaphore, #tpu.memory_space<semaphore_mem>>)
          %add3A_115 = arith.constant 320000 : i32
          %add3A_116 = arith.addi %add3A_115, %mul3A_102 : i32
          %dma_start3A_117 = tpu.memref_slice %arg4[%add3A_116] : memref<640000xi32, #tpu.memory_space<hbm>> -> memref<10000xi32, #tpu.memory_space<hbm>>
          %dma_start3A_118 = tpu.memref_slice %arg4[%add3A_116] : memref<640000xi32, #tpu.memory_space<hbm>> -> memref<10000xi32, #tpu.memory_space<hbm>>
          tpu.enqueue_dma source(%dma_start3A_118 : memref<10000xi32, #tpu.memory_space<hbm>>) target(%arg8 : memref<10000xi32, #tpu.memory_space<vmem>>) target_semaphore(%arg13 : memref<!tpu.dma_semaphore, #tpu.memory_space<semaphore_mem>>)
        } else {
        }
      } else {
      }
      %dma_wait3A_73 = arith.constant 0 : i32
      %dma_wait3A_74 = tpu.memref_slice %arg3[%dma_wait3A_73] : memref<640000xi32, #tpu.memory_space<hbm>> -> memref<10000xi32, #tpu.memory_space<hbm>>
      %dma_wait3A_75 = arith.constant 0 : i32
      %dma_wait3A_76 = tpu.memref_slice %arg3[%dma_wait3A_75] : memref<640000xi32, #tpu.memory_space<hbm>> -> memref<10000xi32, #tpu.memory_space<hbm>>
      tpu.wait_dma2 semaphore(%arg14 : memref<!tpu.dma_semaphore, #tpu.memory_space<semaphore_mem>>) src(%dma_wait3A_76 : memref<10000xi32, #tpu.memory_space<hbm>>) dst(%arg10 : memref<10000xi32, #tpu.memory_space<vmem>>)
      %dma_wait3A_77 = arith.constant 0 : i32
      %dma_wait3A_78 = tpu.memref_slice %arg3[%dma_wait3A_77] : memref<640000xi32, #tpu.memory_space<hbm>> -> memref<10000xi32, #tpu.memory_space<hbm>>
      %dma_wait3A_79 = arith.constant 0 : i32
      %dma_wait3A_80 = tpu.memref_slice %arg3[%dma_wait3A_79] : memref<640000xi32, #tpu.memory_space<hbm>> -> memref<10000xi32, #tpu.memory_space<hbm>>
      tpu.wait_dma2 semaphore(%arg14 : memref<!tpu.dma_semaphore, #tpu.memory_space<semaphore_mem>>) src(%dma_wait3A_80 : memref<10000xi32, #tpu.memory_space<hbm>>) dst(%arg11 : memref<10000xi32, #tpu.memory_space<vmem>>)
      %gt3A_81 = arith.constant 0 : i32
      %gt3A_82 = arith.cmpi sgt, %scan3A_31, %gt3A_81 : i32
      %convert_element_type3A_83 = arith.extui %gt3A_82 : i1 to i32
      %cond3A_84 = arith.constant 0 : i32
      %cond3A_85 = arith.cmpi ne, %convert_element_type3A_83, %cond3A_84 : i32
      scf.if %cond3A_85 {
        %dma_wait3A_99 = arith.constant 0 : i32
        %dma_wait3A_100 = tpu.memref_slice %arg5[%dma_wait3A_99] : memref<10240000xf32, #tpu.memory_space<hbm>> -> memref<10000xf32, #tpu.memory_space<hbm>>
        %dma_wait3A_101 = arith.constant 0 : i32
        %dma_wait3A_102 = tpu.memref_slice %arg5[%dma_wait3A_101] : memref<10240000xf32, #tpu.memory_space<hbm>> -> memref<10000xf32, #tpu.memory_space<hbm>>
        tpu.wait_dma2 semaphore(%arg16 : memref<!tpu.dma_semaphore, #tpu.memory_space<semaphore_mem>>) src(%arg12 : memref<10000xf32, #tpu.memory_space<vmem>>) dst(%dma_wait3A_102 : memref<10000xf32, #tpu.memory_space<hbm>>)
      } else {
      }
      %parallel_loop3A_86 = arith.constant 0 : i32
      %parallel_loop3A_87 = arith.constant 10000 : i32
      %parallel_loop3A_88 = arith.constant 16 : i32
      scf.for %parallel_loop3A_99 = %parallel_loop3A_86 to %parallel_loop3A_87 step %parallel_loop3A_88  : i32 {
        %parallel_loop3A_100 = arith.index_cast %parallel_loop3A_99 : i32 to index
        %parallel_loop3A_101 = tpu.vector_load %arg10[%parallel_loop3A_100] {strides = array<i32>} : memref<10000xi32, #tpu.memory_space<vmem>>, vector<16xi32>,
        %parallel_loop3A_102 = arith.index_cast %parallel_loop3A_99 : i32 to index
        %parallel_loop3A_103 = tpu.vector_load %arg11[%parallel_loop3A_102] {strides = array<i32>} : memref<10000xi32, #tpu.memory_space<vmem>>, vector<16xi32>,
        %parallel_loop3A_104 = arith.constant 0 : i32
        %parallel_loop3A_105 = vector.broadcast %parallel_loop3A_104 : i32 to vector<16xi32>
        %parallel_loop3A_106 = arith.addi %parallel_loop3A_101, %parallel_loop3A_105 : vector<16xi32>
        %parallel_loop3A_107 = tpu.vector_load_idx %arg6[%parallel_loop3A_106] : memref<40000xi32, #tpu.memory_space<vmem>>[vector<16xi32>], vector<16xi32>,
        %parallel_loop3A_108 = arith.constant 0 : i32
        %parallel_loop3A_109 = vector.broadcast %parallel_loop3A_108 : i32 to vector<16xi32>
        %parallel_loop3A_110 = arith.addi %parallel_loop3A_103, %parallel_loop3A_109 : vector<16xi32>
        %parallel_loop3A_111 = tpu.vector_load_idx %arg6[%parallel_loop3A_110] : memref<40000xi32, #tpu.memory_space<vmem>>[vector<16xi32>], vector<16xi32>,
        %parallel_loop3A_112 = vector.bitcast %parallel_loop3A_107 : vector<16xi32> to vector<32xbf16>
        %parallel_loop3A_113 = vector.bitcast %parallel_loop3A_111 : vector<16xi32> to vector<32xbf16>
        %parallel_loop3A_114 = arith.mulf %parallel_loop3A_112, %parallel_loop3A_113 : vector<32xbf16>
        %parallel_loop3A_115 = tpu.unpack_subelements %parallel_loop3A_114, 0 {pack_format = #tpu.pack_format<interleaved>} : vector<32xbf16> -> vector<16xf32>
        %parallel_loop3A_116 = tpu.unpack_subelements %parallel_loop3A_114, 1 {pack_format = #tpu.pack_format<interleaved>} : vector<32xbf16> -> vector<16xf32>
        %parallel_loop3A_117 = arith.addf %parallel_loop3A_115, %parallel_loop3A_116 : vector<16xf32>
        %parallel_loop3A_118 = arith.constant 10000 : i32
        %parallel_loop3A_119 = vector.broadcast %parallel_loop3A_118 : i32 to vector<16xi32>
        %parallel_loop3A_120 = arith.addi %parallel_loop3A_101, %parallel_loop3A_119 : vector<16xi32>
        %parallel_loop3A_121 = tpu.vector_load_idx %arg6[%parallel_loop3A_120] : memref<40000xi32, #tpu.memory_space<vmem>>[vector<16xi32>], vector<16xi32>,
        %parallel_loop3A_122 = arith.constant 10000 : i32
        %parallel_loop3A_123 = vector.broadcast %parallel_loop3A_122 : i32 to vector<16xi32>
        %parallel_loop3A_124 = arith.addi %parallel_loop3A_103, %parallel_loop3A_123 : vector<16xi32>
        %parallel_loop3A_125 = tpu.vector_load_idx %arg6[%parallel_loop3A_124] : memref<40000xi32, #tpu.memory_space<vmem>>[vector<16xi32>], vector<16xi32>,
        %parallel_loop3A_126 = vector.bitcast %parallel_loop3A_121 : vector<16xi32> to vector<32xbf16>
        %parallel_loop3A_127 = vector.bitcast %parallel_loop3A_125 : vector<16xi32> to vector<32xbf16>
        %parallel_loop3A_128 = arith.mulf %parallel_loop3A_126, %parallel_loop3A_127 : vector<32xbf16>
        %parallel_loop3A_129 = tpu.unpack_subelements %parallel_loop3A_128, 0 {pack_format = #tpu.pack_format<interleaved>} : vector<32xbf16> -> vector<16xf32>
        %parallel_loop3A_130 = tpu.unpack_subelements %parallel_loop3A_128, 1 {pack_format = #tpu.pack_format<interleaved>} : vector<32xbf16> -> vector<16xf32>
        %parallel_loop3A_131 = arith.addf %parallel_loop3A_129, %parallel_loop3A_130 : vector<16xf32>
        %parallel_loop3A_132 = arith.constant 20000 : i32
        %parallel_loop3A_133 = vector.broadcast %parallel_loop3A_132 : i32 to vector<16xi32>
        %parallel_loop3A_134 = arith.addi %parallel_loop3A_101, %parallel_loop3A_133 : vector<16xi32>
        %parallel_loop3A_135 = tpu.vector_load_idx %arg6[%parallel_loop3A_134] : memref<40000xi32, #tpu.memory_space<vmem>>[vector<16xi32>], vector<16xi32>,
        %parallel_loop3A_136 = arith.constant 20000 : i32
        %parallel_loop3A_137 = vector.broadcast %parallel_loop3A_136 : i32 to vector<16xi32>
        %parallel_loop3A_138 = arith.addi %parallel_loop3A_103, %parallel_loop3A_137 : vector<16xi32>
        %parallel_loop3A_139 = tpu.vector_load_idx %arg6[%parallel_loop3A_138] : memref<40000xi32, #tpu.memory_space<vmem>>[vector<16xi32>], vector<16xi32>,
        %parallel_loop3A_140 = vector.bitcast %parallel_loop3A_135 : vector<16xi32> to vector<32xbf16>
        %parallel_loop3A_141 = vector.bitcast %parallel_loop3A_139 : vector<16xi32> to vector<32xbf16>
        %parallel_loop3A_142 = arith.mulf %parallel_loop3A_140, %parallel_loop3A_141 : vector<32xbf16>
        %parallel_loop3A_143 = tpu.unpack_subelements %parallel_loop3A_142, 0 {pack_format = #tpu.pack_format<interleaved>} : vector<32xbf16> -> vector<16xf32>
        %parallel_loop3A_144 = tpu.unpack_subelements %parallel_loop3A_142, 1 {pack_format = #tpu.pack_format<interleaved>} : vector<32xbf16> -> vector<16xf32>
        %parallel_loop3A_145 = arith.addf %parallel_loop3A_143, %parallel_loop3A_144 : vector<16xf32>
        %parallel_loop3A_146 = arith.constant 30000 : i32
        %parallel_loop3A_147 = vector.broadcast %parallel_loop3A_146 : i32 to vector<16xi32>
        %parallel_loop3A_148 = arith.addi %parallel_loop3A_101, %parallel_loop3A_147 : vector<16xi32>
        %parallel_loop3A_149 = tpu.vector_load_idx %arg6[%parallel_loop3A_148] : memref<40000xi32, #tpu.memory_space<vmem>>[vector<16xi32>], vector<16xi32>,
        %parallel_loop3A_150 = arith.constant 30000 : i32
        %parallel_loop3A_151 = vector.broadcast %parallel_loop3A_150 : i32 to vector<16xi32>
        %parallel_loop3A_152 = arith.addi %parallel_loop3A_103, %parallel_loop3A_151 : vector<16xi32>
        %parallel_loop3A_153 = tpu.vector_load_idx %arg6[%parallel_loop3A_152] : memref<40000xi32, #tpu.memory_space<vmem>>[vector<16xi32>], vector<16xi32>,
        %parallel_loop3A_154 = vector.bitcast %parallel_loop3A_149 : vector<16xi32> to vector<32xbf16>
        %parallel_loop3A_155 = vector.bitcast %parallel_loop3A_153 : vector<16xi32> to vector<32xbf16>
        %parallel_loop3A_156 = arith.mulf %parallel_loop3A_154, %parallel_loop3A_155 : vector<32xbf16>
        %parallel_loop3A_157 = tpu.unpack_subelements %parallel_loop3A_156, 0 {pack_format = #tpu.pack_format<interleaved>} : vector<32xbf16> -> vector<16xf32>
        %parallel_loop3A_158 = tpu.unpack_subelements %parallel_loop3A_156, 1 {pack_format = #tpu.pack_format<interleaved>} : vector<32xbf16> -> vector<16xf32>
        %parallel_loop3A_159 = arith.addf %parallel_loop3A_157, %parallel_loop3A_158 : vector<16xf32>
        %parallel_loop3A_160 = arith.addf %parallel_loop3A_117, %parallel_loop3A_131 : vector<16xf32>
        %parallel_loop3A_161 = arith.addf %parallel_loop3A_145, %parallel_loop3A_159 : vector<16xf32>
        %parallel_loop3A_162 = arith.addf %parallel_loop3A_160, %parallel_loop3A_161 : vector<16xf32>
        %parallel_loop3A_163 = arith.index_cast %parallel_loop3A_99 : i32 to index
        %parallel_loop3A_164 = tpu.vector_load %arg12[%parallel_loop3A_163] {strides = array<i32>} : memref<10000xf32, #tpu.memory_space<vmem>>, vector<16xf32>,
        tpu.vector_store %arg12[%parallel_loop3A_163], %parallel_loop3A_162 {strides = array<i32>} : memref<10000xf32, #tpu.memory_space<vmem>>, vector<16xf32>,
      } {sc.loop_unroll_factor = 8 : i64, sc.parallel_access}
      %add3A_89 = arith.constant 1 : i32
      %add3A_90 = arith.addi %mul3A_33, %add3A_89 : i32
      %mul3A_91 = arith.constant 10000 : i32
      %mul3A_92 = arith.muli %add3A_90, %mul3A_91 : i32
      %add3A_93 = arith.addi %mul3A_11, %mul3A_92 : i32
      %mul3A_94 = arith.constant 640000 : i32
      %mul3A_95 = arith.muli %arg1, %mul3A_94 : i32
      %add3A_96 = arith.addi %mul3A_95, %add3A_93 : i32
      %dma_start3A_97 = tpu.memref_slice %arg5[%add3A_96] : memref<10240000xf32, #tpu.memory_space<hbm>> -> memref<10000xf32, #tpu.memory_space<hbm>>
      %dma_start3A_98 = tpu.memref_slice %arg5[%add3A_96] : memref<10240000xf32, #tpu.memory_space<hbm>> -> memref<10000xf32, #tpu.memory_space<hbm>>
      tpu.enqueue_dma source(%arg12 : memref<10000xf32, #tpu.memory_space<vmem>>) target(%dma_start3A_98 : memref<10000xf32, #tpu.memory_space<hbm>>) target_semaphore(%arg16 : memref<!tpu.dma_semaphore, #tpu.memory_space<semaphore_mem>>)
    }
    %scan3A_23 = arith.constant 16 : i32
    %dma_wait3A = arith.constant 0 : i32
    %dma_wait3A_24 = tpu.memref_slice %arg5[%dma_wait3A] : memref<10240000xf32, #tpu.memory_space<hbm>> -> memref<10000xf32, #tpu.memory_space<hbm>>
    %dma_wait3A_25 = arith.constant 0 : i32
    %dma_wait3A_26 = tpu.memref_slice %arg5[%dma_wait3A_25] : memref<10240000xf32, #tpu.memory_space<hbm>> -> memref<10000xf32, #tpu.memory_space<hbm>>
    tpu.wait_dma2 semaphore(%arg15 : memref<!tpu.dma_semaphore, #tpu.memory_space<semaphore_mem>>) src(%arg9 : memref<10000xf32, #tpu.memory_space<vmem>>) dst(%dma_wait3A_26 : memref<10000xf32, #tpu.memory_space<hbm>>)
    %dma_wait3A_27 = arith.constant 0 : i32
    %dma_wait3A_28 = tpu.memref_slice %arg5[%dma_wait3A_27] : memref<10240000xf32, #tpu.memory_space<hbm>> -> memref<10000xf32, #tpu.memory_space<hbm>>
    %dma_wait3A_29 = arith.constant 0 : i32
    %dma_wait3A_30 = tpu.memref_slice %arg5[%dma_wait3A_29] : memref<10240000xf32, #tpu.memory_space<hbm>> -> memref<10000xf32, #tpu.memory_space<hbm>>
    tpu.wait_dma2 semaphore(%arg16 : memref<!tpu.dma_semaphore, #tpu.memory_space<semaphore_mem>>) src(%arg12 : memref<10000xf32, #tpu.memory_space<vmem>>) dst(%dma_wait3A_30 : memref<10000xf32, #tpu.memory_space<hbm>>)
    return
  }
}

module attributes {stable_mosaic.version = 14 : i64} {
  func.func @_tc_loss_body(%arg0: i32, %arg1: memref<16x200x128xf32, #tpu.memory_space<vmem>>, %arg2: memref<1x1xf32, #tpu.memory_space<smem>>) attributes {dimension_semantics = [#tpu.dimension_semantics<arbitrary>], iteration_bounds = array<i64: 25>, scalar_prefetch = 0 : i64, scratch_operands = 0 : i64, tpu.core_type = #tpu.core_type<tc>, window_params = [{transform_indices = @transform_0, window_bounds = array<i64: 16, 200, 128>}, {transform_indices = @transform_1, window_bounds = array<i64: 1, 1>}]} {
    %get3A = arith.constant 0 : index
    %get3A_0 = arith.constant 0 : index
    %get3A_1 = arith.constant 0 : index
    %get3A_2 = vector.load %arg1[%get3A, %get3A_0, %get3A_1] : memref<16x200x128xf32, #tpu.memory_space<vmem>>, vector<16x200x128xf32>
    %reduce_sum3A = arith.constant dense<0.000000e+00> : vector<200x128xf32>
    %reduce_sum3A_3 = vector.multi_reduction <add>, %get3A_2, %reduce_sum3A [0] : vector<16x200x128xf32> to vector<200x128xf32>
    %iota3A = tpu.iota {dimensions = array<i32: 0>} : vector<200x128xi32>
    %mul3A = arith.constant 200 : i32
    %mul3A_4 = arith.muli %arg0, %mul3A : i32
    %add3A = vector.broadcast %mul3A_4 : i32 to vector<200x128xi32>
    %add3A_5 = arith.addi %iota3A, %add3A : vector<200x128xi32>
    %lt3A = arith.constant 2500 : i32
    %lt3A_6 = vector.broadcast %lt3A : i32 to vector<200x128xi32>
    %lt3A_7 = arith.cmpi slt, %add3A_5, %lt3A_6 : vector<200x128xi32>
    %neg3A = arith.constant 0.000000e+00 : f32
    %neg3A_8 = vector.broadcast %neg3A : f32 to vector<200x128xf32>
    %neg3A_9 = arith.subf %neg3A_8, %reduce_sum3A_3 : vector<200x128xf32>
    %select_n3A = arith.select %lt3A_7, %neg3A_9, %reduce_sum3A_3 : vector<200x128xi1>, vector<200x128xf32>
    %max3A = arith.constant 0.000000e+00 : f32
    %max3A_10 = vector.broadcast %max3A : f32 to vector<200x128xf32>
    %max3A_11 = arith.maximumf %select_n3A, %max3A_10 : vector<200x128xf32>
    %abs3A = math.absf %select_n3A : vector<200x128xf32>
    %neg3A_12 = arith.constant 0.000000e+00 : f32
    %neg3A_13 = vector.broadcast %neg3A_12 : f32 to vector<200x128xf32>
    %neg3A_14 = arith.subf %neg3A_13, %abs3A : vector<200x128xf32>
    %exp3A = math.exp %neg3A_14 : vector<200x128xf32>
    %log1p3A = math.log1p %exp3A : vector<200x128xf32>
    %add3A_15 = arith.addf %max3A_11, %log1p3A : vector<200x128xf32>
    %eq3A = arith.constant 0 : i32
    %eq3A_16 = arith.cmpi eq, %arg0, %eq3A : i32
    %get3A_17 = arith.constant 0 : index
    %get3A_18 = arith.constant 0 : index
    %get3A_19 = memref.load %arg2[%get3A_17, %get3A_18] : memref<1x1xf32, #tpu.memory_space<smem>>
    %jit3A = arith.constant 0.000000e+00 : f32
    %select_n3A_20 = arith.select %eq3A_16, %jit3A, %get3A_19 : f32
    %reduce_sum3A_21 = vector.shape_cast %add3A_15 : vector<200x128xf32> to vector<1x200x128xf32>
    %reduce_sum3A_22 = arith.constant dense<0.000000e+00> : vector<1xf32>
    %reduce_sum3A_23 = vector.multi_reduction <add>, %reduce_sum3A_21, %reduce_sum3A_22 [1, 2] : vector<1x200x128xf32> to vector<1xf32>
    %reduce_sum3A_24 = vector.shape_cast %reduce_sum3A_23 : vector<1xf32> to vector<1x1x1xf32>
    %reduce_sum3A_25 = vector.extract %reduce_sum3A_24[0, 0, 0] : f32 from vector<1x1x1xf32>
    %add3A_26 = arith.addf %select_n3A_20, %reduce_sum3A_25 : f32
    %eq3A_27 = arith.constant 24 : i32
    %eq3A_28 = arith.cmpi eq, %arg0, %eq3A_27 : i32
    %div3A = arith.constant 6.400000e+05 : f32
    %div3A_29 = arith.divf %add3A_26, %div3A : f32
    %select_n3A_30 = arith.select %eq3A_28, %div3A_29, %add3A_26 : f32
    %swap3A = arith.constant 0 : index
    %swap3A_31 = arith.constant 0 : index
    %swap3A_32 = memref.load %arg2[%swap3A, %swap3A_31] : memref<1x1xf32, #tpu.memory_space<smem>>
    memref.store %select_n3A_30, %arg2[%swap3A, %swap3A_31] : memref<1x1xf32, #tpu.memory_space<smem>>
    return
  }
  func.func @transform_0(%arg0: i32) -> (i32, i32, i32) {
    %c0_i32 = arith.constant 0 : i32
    %c0_i32_0 = arith.constant 0 : i32
    %c0_i32_1 = arith.constant 0 : i32
    return %c0_i32, %arg0, %c0_i32_0 : i32, i32, i32
  }
  func.func @transform_1(%arg0: i32) -> (i32, i32) {
    %c0_i32 = arith.constant 0 : i32
    %c0_i32_0 = arith.constant 0 : i32
    %c0_i32_1 = arith.constant 0 : i32
    return %c0_i32, %c0_i32_0 : i32, i32
  }
}

</mosaic_0001>

<sc_bundles>
// kernel: kernel.4.cloned.1.call-start
scs
__scs_entry_jumppad:
0x0: {  	(pc) =	sbr.rel $0x88, $3  }
0x1: {  	(tag) =	ssettag $0x0;
	lr =	simm.s32 $0x1  }
0x2: {  	[smem:$0x3F9E] =	sst lr;
	_ =	strace $0xD0000000  }
0x3: {  	_ = 	snop  }
0x4: {  	_ = 	snop  }
0x5: {  	_ = 	snop  }
0x6: {  	_ = 	snop  }
0x7: {  	_ = 	snop  }
__scs_overlays_trampoline_lowered:
0x8: {  	[smem:$0x3FAD] =	sst s0  }
0x9: {  	[smem:$0x3FAE] =	sst s1  }
0xa: {  	[smem:$0x3FAF] =	sst s2  }
0xb: {  	[smem:$0x3FB0] =	sst s3  }
0xc: {  	[smem:$0x3FB1] =	sst s4  }
0xd: {  	[smem:$0x3FB2] =	sst s5  }
0xe: {  	[smem:$0x3FB3] =	sst s6  }
0xf: {  	[smem:$0x3FB4] =	sst s7  }
0x10: {  	[smem:$0x3FB5] =	sst s8  }
0x11: {  	[smem:$0x3FB6] =	sst s9;
	s0 =	simm.s32 @!p0 $0x0  }
0x12: {  	s1 =	sld [smem:$0x3F9C];
	s0 =	simm.s32 @p0 $0x1  }
0x13: {  	[smem:$0x3FB7] =	sst s0;
	s0 =	simm.s32 @!p1 $0x0  }
0x14: {  	s2 =	sld [smem:$0x3F9B];
	s0 =	simm.s32 @p1 $0x1  }
0x15: {  	[smem:$0x3FB8] =	sst s0;
	s0 =	simm.s32 @!p2 $0x0  }
0x16: {  	s3 =	sld [smem:$0x3FDB];
	s0 =	simm.s32 @p2 $0x1  }
0x17: {  	s4 =	simm.s32 $0x1BF5;
	[smem:$0x3FBA] =	sst s0  }
0x18: {  	s0 =	sld [smem:$0x3F9D];
	_ =	swait.ge [sflag:s4], $0x0  }
0x19: {  	s7 =	sld [smem:$0x3F9E]  }
0x1a: {  	s8 =	sadd.s32 $0xFFFFE003, lr  }
0x1b: {  	s9 =	sadd.s32 $0xFFFFFEF7, lr;
	s5 =	simm.s32 $0xFFFFFFFF;
	p2 =	slt.u32 s8, $0xFFFFF086  }
0x1c: {  	p1 =	slt.u32 s9, $0xF7A;
	s5 =	simm.s32 @!p2 $0x0  }
0x1d: {  	s5 =	simm.s32 @p1 $0x1;
	p0 =	seq.s32 s7, s2  }
0x1e: {  	s7 =	smul.u32 @!p0 $0xF7A, s2;
	p2 =	seq.s32 @!p0 s5, $0x0  }
0x1f: {  	s9 =	smul.u32 $0xF7A, s1;
	s8 =	simm.s32 @!p0 $0x1BF5;
	p2 =	por !p2, p0  }
0x20: {  	[sflag:s8] =	ssyncset.s32 @!p0 $0xFFFFF086;
	s6 =	sadd.s32 @!p0 s3, s7;
	s7 =	simm.s32 @!p0 $0x108  }
0x21: {  	s3 =	sadd.s32 s3, s9;
	s6 =	sadd.s32 @!p0 $0x88, s6;
	s7 =	simm.s32 @p2 $0x1082  }
0x22: {  	[simem:s7], [sflag:s8] =	dma.local @!p0 [hbm:s6], $0xF7A  }
0x23: {  	s9 =	sor.u32 $0xD0000000, s2;
	s6 =	simm.s32 $0x108;
	_ =	swait.ge @!p0 [sflag:s8], $0x0  }
0x24: {  	s3 =	sadd.s32 $0x88, s3;
	s6 =	simm.s32 @!p1 $0x1082;
	[sflag:s4] =	ssyncset.s32 $0xFFFFF086  }
0x25: {  	[simem:s6], [sflag:s4] =	dma.local [hbm:s3], $0xF7A  }
0x26: {  	[smem:$0x3F9E] =	sst s1;
	(tag) =	ssettag s2;
	_ =	strace s9  }
0x27: {  	s1 =	sld [smem:$0x3FAE]  }
0x28: {  	s2 =	sld [smem:$0x3FAF]  }
0x29: {  	s4 =	sld [smem:$0x3FB1]  }
0x2a: {  	p0 =	seq.s32 s5, $0x0;
	s5 =	sld [smem:$0x3FB2]  }
0x2b: {  	s6 =	sld [smem:$0x3FB3]  }
0x2c: {  	s7 =	sld [smem:$0x3FB4]  }
0x2d: {  	s3 =	simm.s32 $0x108;
	s8 =	sld [smem:$0x3FB5]  }
0x2e: {  	s3 =	simm.s32 @!p0 $0x1082;
	s9 =	sld [smem:$0x3FB6]  }
0x2f: {  	lr =	sadd.s32 s0, s3;
	s0 =	sld [smem:$0x3FAD]  }
0x30: {  	s3 =	sld [smem:$0x3FB0]  }
0x31: {  	[smem:$0x3FB9] =	sst s10  }
0x32: {  	s10 =	sld [smem:$0x3FB7];
	_ =	sdelay $0x3  }
0x33: {  	p0 =	seq.s32 s10, $0x1;
	s10 =	sld [smem:$0x3FB9];
	_ =	sdelay $0x3  }
0x34: {  	[smem:$0x3FB9] =	sst s10  }
0x35: {  	s10 =	sld [smem:$0x3FB8];
	_ =	sdelay $0x3  }
0x36: {  	p1 =	seq.s32 s10, $0x1;
	s10 =	sld [smem:$0x3FB9];
	_ =	sdelay $0x3  }
0x37: {  	[smem:$0x3FB9] =	sst s10  }
0x38: {  	s10 =	sld [smem:$0x3FBA]  }
0x39: {  	_ = 	snop;
	(pc) =	sbr.ind lr, $3  }
0x3a: {  	_ = 	snop  }
0x3b: {  	_ = 	snop  }
0x3c: {  	p2 =	seq.s32 s10, $0x1;
	s10 =	sld [smem:$0x3FB9]  }
0x3d: {  	_ =	shalt  }
0x3e: {  	_ =	shalt  }
0x3f: {  	_ =	shalt  }
0x40: {  	_ =	shalt  }
0x41: {  	_ =	shalt  }
0x42: {  	_ =	shalt  }
0x43: {  	_ =	shalt  }
0x44: {  	_ =	shalt  }
0x45: {  	_ =	shalt  }
0x46: {  	_ =	shalt  }
0x47: {  	_ =	shalt  }
0x48: {  	_ =	shalt  }
0x49: {  	_ =	shalt  }
0x4a: {  	_ =	shalt  }
0x4b: {  	_ =	shalt  }
0x4c: {  	_ =	shalt  }
0x4d: {  	_ =	shalt  }
0x4e: {  	_ =	shalt  }
0x4f: {  	_ =	shalt  }
0x50: {  	_ =	shalt  }
0x51: {  	_ =	shalt  }
0x52: {  	_ =	shalt  }
0x53: {  	_ =	shalt  }
0x54: {  	_ =	shalt  }
0x55: {  	_ =	shalt  }
0x56: {  	_ =	shalt  }
0x57: {  	_ =	shalt  }
0x58: {  	_ =	shalt  }
0x59: {  	_ =	shalt  }
0x5a: {  	_ =	shalt  }
0x5b: {  	_ =	shalt  }
0x5c: {  	_ =	shalt  }
0x5d: {  	_ =	shalt  }
0x5e: {  	_ =	shalt  }
0x5f: {  	_ =	shalt  }
0x60: {  	_ =	shalt  }
0x61: {  	_ =	shalt  }
0x62: {  	_ =	shalt  }
0x63: {  	_ =	shalt  }
0x64: {  	_ =	shalt  }
0x65: {  	_ =	shalt  }
0x66: {  	_ =	shalt  }
0x67: {  	_ =	shalt  }
0x68: {  	_ =	shalt  }
0x69: {  	_ =	shalt  }
0x6a: {  	_ =	shalt  }
0x6b: {  	_ =	shalt  }
0x6c: {  	_ =	shalt  }
0x6d: {  	_ =	shalt  }
0x6e: {  	_ =	shalt  }
0x6f: {  	_ =	shalt  }
0x70: {  	_ =	shalt  }
0x71: {  	_ =	shalt  }
0x72: {  	_ =	shalt  }
0x73: {  	_ =	shalt  }
0x74: {  	_ =	shalt  }
0x75: {  	_ =	shalt  }
0x76: {  	_ =	shalt  }
0x77: {  	_ =	shalt  }
0x78: {  	_ =	shalt  }
0x79: {  	_ =	shalt  }
0x7a: {  	_ =	shalt  }
0x7b: {  	_ =	shalt  }
0x7c: {  	_ =	shalt  }
0x7d: {  	_ =	shalt  }
0x7e: {  	_ =	shalt  }
0x7f: {  	_ =	shalt  }
0x80: {  	_ =	shalt  }
0x81: {  	_ =	shalt  }
0x82: {  	_ =	shalt  }
0x83: {  	_ =	shalt  }
0x84: {  	_ =	shalt  }
0x85: {  	_ =	shalt  }
0x86: {  	_ =	shalt  }
0x87: {  	_ =	shalt  }
.Lfunc_end0:
.L_simem_size_0:
called_computation_lowered:
.L_overlay_start_0:
0x88: {  	s2 =	sld [smem:$0x3FD9]  }
0x89: {  	s3 =	sld [smem:$0x3FFE];
	_ =	sdelay $0x1  }
0x8a: {  	s1 =	srdreg.scid  }
0x8b: {  	s0 =	sand.u32 $0x1, s1  }
0x8c: {  	s16 =	sshll.u32 s0, $0xA;
	s2 =	sadd.s32 s3, s2  }
0x8d: {  	s2 =	sadd.s32 s2, s16  }
0x8e: {  	[smem:$0x3FC5] =	sst s2  }
0x8f: {  	_ = 	snop  }
0x90: {  	(tm) =	ssettm $0x1  }
0x91: {  	s17 =	sld [smem:$0x3FFB];
	_ =	sdelay $0x3  }
0x92: {  	_ =	strace s17  }
0x93: {  	s2 =	sld [smem:$0x3FFC];
	_ =	sdelay $0x3  }
0x94: {  	_ =	strace s2  }
0x95: {  	s2 =	sld [smem:$0x3FFD];
	_ =	sdelay $0x3  }
0x96: {  	_ =	strace s2  }
0x97: {  	_ =	strace $0x8FFFFFFF  }
0x98: {  	s18 =	sld [smem:$0x3FDB];
	_ =	sdelay $0x1  }
0x99: {  	s19 =	simm.s32 $_scs_section_size  }
0x9a: {  	s4 =	simm.s32 $_size__tile_overlayer_lowered;
	s5 =	simm.s32 $_tile_overlayer_lowered  }
0x9b: {  	s22 =	simm.s32 $0x1BFF;
	s21 =	sshll.u32 s5, $0x1;
	s2 =	sadd.s32 s19, s18  }
0x9c: {  	s6 =	simm.s32 $0x0;
	s20 =	sshll.u32 s4, $0x1;
	s4 =	sadd.s32 s21, s2  }
0x9d: {  	[timem:s6], [sflag:s22] =	dma.local [hbm:s4], s20  }
0x9e: {  	_ =	swait.ge [sflag:s22], s20  }
0x9f: {  	s3 =	ssub.s32 $0x0, s20;
	[sflag:s22] =	ssyncset.done $0x0  }
0xa0: {  	[sflag:s22] =	ssyncadd.s32 s3;
	_ =	sdelay $0x1  }
0xa1: {  	s23 =	simm.s32 $0x1B8B  }
0xa2: {  	_ =	swait.ge [sflag:s23], $0x1  }
0xa3: {  	[sflag:s23] =	ssyncset.done $0x0  }
0xa4: {  	s25 =	simm.s32 $0x1B8E;
	s24 =	sld [smem:$0x3FFE];
	[sflag:s23] =	ssyncadd.s32 $0xFFFFFFFF  }
0xa5: {  	s26 =	simm.s32 $execute0_lowered;
	[smem:$0x3FD2] =	sst s25  }
0xa6: {  	s4 =	sshll.u32 s26, $0x1;
	_ =	strace $0x80000046;
	[dreg:$0x1] =	wrdreg $0xFFFFFFFF  }
0xa7: {  	s28 =	simm.s32 $_size_execute0_lowered;
	s2 =	sadd.s32 s2, s4;
	[dreg:$0x0] =	wrdreg $0x0  }
0xa8: {  	s4 =	sshll.u32 s28, $0x1;
	[dreg:$0x2] =	wrdreg s2  }
0xa9: {  	[dreg:$0x3] =	wrdreg s4  }
0xaa: {  	[dreg:$0x4] =	wrdreg $0xC0  }
0xab: {  	_ =	task [dreg:s6], $0x5FFFF  }
0xac: {  	[dreg:$0x1] =	wrdreg $0xFFFFFFFF  }
0xad: {  	[dreg:$0x0] =	wrdreg $0x60  }
0xae: {  	[dreg:$0x2] =	wrdreg s24  }
0xaf: {  	[dreg:$0x3] =	wrdreg $0x9  }
0xb0: {  	_ =	task.clear_ibuf [dreg:s6], $0x4FFFF;
	_ =	strace $0x90000046  }
0xb1: {  	s29 =	simm.s32 $0x9;
	_ =	strace $0x80000048  }
0xb2: {  	_ =	swait.ge [sflag:s29], $0x1  }
0xb3: {  	[sflag:s29] =	ssyncadd.s32 $0xFFFFFFFF  }
0xb4: {  	_ =	strace $0x90000048  }
0xb5: {  	_ =	sfence  }
0xb6: {  	s30 =	sld [smem:$0x0];
	_ =	sdelay $0x2  }
0xb7: {  	s31 =	sshll.u32 s1, $0xD;
	s1 =	sshrl.u32 s1, $0x2  }
0xb8: {  	s3 =	sand.u32 $0x4000, s31;
	s1 =	sadd.s32 s1, s30  }
0xb9: {  	s0 =	sor.u32 s3, s0;
	s1 =	sshll.u32 s1, $0x11  }
0xba: {  	s0 =	sor.u32 s1, s0  }
0xbb: {  	s0 =	sadd.s32 $0x8F2B, s0  }
0xbc: {  	[sflag:s0] =	ssyncadd.remote.s32 $0x1  }
0xbd: {  	_ =	sfence.sel $0xFFFF  }
0xbe: {  	[dreg:$0x0] =	wrdreg $0xFFFFFFFF;
	(pc) =	sbr.abs _section_cstart, $3  }
0xbf: {  	[dreg:$0x1] =	wrdreg $0xFFFFFFFF  }
0xc0: {  	_ =	task.clear_ibuf [dreg:s6], $0x2FFFF;
	_ =	strace $0x9FFFFFFF  }
0xc1: {  	(tm) =	ssettm $0x7FFFFFFF  }
tec
execute0_lowered:
.L_overlay_start_1:
0x0: {  	(tag) =	ssettag $0x1  }
0x1: {  	s0 =	rddreg [dreg:$0x0]  }
0x2: {  	s6 =	stileid.u32;
	s1 =	srdreg.scid;
	s2 =	simm.s32 $0x0  }
0x3: {  	s10 =	simm.s32 $0xA00;
	s13 =	simm.s32 $0x5;
	s18 =	simm.s32 $0x9C80  }
0x4: {  	s19 =	simm.s32 $0xC400;
	s20 =	simm.s32 $0x11300;
	s21 =	simm.s32 $0x13A80  }
0x5: {  	s22 =	simm.s32 $0x1;
	s23 =	simm.s32 $0xEB80;
	s24 =	simm.s32 $0x2  }
0x6: {  	s25 =	simm.s32 $0x16200;
	s26 =	simm.s32 $0x3;
	s28 =	simm.s32 $0x4  }
0x7: {  	s29 =	simm.s32 $0x0;
	s3 =	smul.u32 $0x9C40, s6;
	s1 =	sand.u32 $0x1, s1  }
0x8: {  	[smem:$0x7FF] =	sst s2;
	s31 =	smul.u32 $0x9C400, s6;
	s4 =	ssub.s32 $0x2, s1  }
0x9: {  	_ =	strace $0x80000047;
	s9 =	smul.u32 $0x4E200, s1;
	p0 =	seq.s32 s1, $0x0  }
0xa: {  	s3 =	sshrl.u32 s3, $0x3;
	s5 =	sshrl.u32 s4, $0x1;
	s10 =	simm.s32 @!p0 $0x14400  }
0xb: {  	s8 =	sadd.s32 s3, s0;
	s3 =	sadd.s32 $0x3B800, s0;
	s11 =	ssub.s32 s4, s5  }
0xc: {  	s9 =	sadd.s32 s9, s31;
	s10 =	sadd.s32 s10, s0;
	s4 =	sadd.s32 $0x27E00, s8  }
0xd: {  	s5 =	sadd.s32 $0x281E8, s8;
	s6 =	sadd.s32 $0x285D0, s8;
	s7 =	sadd.s32 $0x289B8, s8  }
0xe: {  	s8 =	sadd.s32 $0x28DA0, s8;
	s11 =	smax.u32 s11, $0x1;
	s12 =	sadd.s32 $0x9C40, s10  }
.LBB2_1:
0xf: {  	[tilespmem:s2], [sflag:$0x5] =	stream.linear.gather [hbm4b:s4+s2], $0x1F40, $0x38;
	[tilespmem:$0x18980] =	vst v63  }
0x10: {  	_ =	swait.ge [sflag:s13], $0x1F40  }
0x11: {  	[sflag:s13] =	ssyncset.done $0x0  }
0x12: {  	s0 =	simm.s32 $0x1F40;
	[sflag:s13] =	ssyncadd.s32 $0xFFFFE0C0  }
0x13: {  	[tilespmem:s0], [sflag:$0x5] =	stream.linear.gather [hbm4b:s5+s2], $0x1F40, $0x38;
	[tilespmem:$0x18980] =	vst v63  }
0x14: {  	_ =	swait.ge [sflag:s13], $0x1F40  }
0x15: {  	[sflag:s13] =	ssyncset.done $0x0  }
0x16: {  	s16 =	simm.s32 $0x3E80;
	[sflag:s13] =	ssyncadd.s32 $0xFFFFE0C0  }
0x17: {  	[tilespmem:s16], [sflag:$0x5] =	stream.linear.gather [hbm4b:s6+s2], $0x1F40, $0x38;
	[tilespmem:$0x18980] =	vst v63  }
0x18: {  	_ =	swait.ge [sflag:s13], $0x1F40  }
0x19: {  	[sflag:s13] =	ssyncset.done $0x0  }
0x1a: {  	s17 =	simm.s32 $0x5DC0;
	[sflag:s13] =	ssyncadd.s32 $0xFFFFE0C0  }
0x1b: {  	[tilespmem:s17], [sflag:$0x5] =	stream.linear.gather [hbm4b:s7+s2], $0x1F40, $0x38;
	[tilespmem:$0x18980] =	vst v63  }
0x1c: {  	_ =	swait.ge [sflag:s13], $0x1F40  }
0x1d: {  	[sflag:s13] =	ssyncset.done $0x0  }
0x1e: {  	s31 =	simm.s32 $0x7D00;
	[sflag:s13] =	ssyncadd.s32 $0xFFFFE0C0  }
0x1f: {  	[tilespmem:s31], [sflag:$0x5] =	stream.linear.gather [hbm4b:s8+s2], $0x1F40, $0x38;
	[tilespmem:$0x18980] =	vst v63  }
0x20: {  	_ =	swait.ge [sflag:s13], $0x1F40  }
0x21: {  	[sflag:s13] =	ssyncset.done $0x0  }
0x22: {  	[sflag:s13] =	ssyncadd.s32 $0xFFFFE0C0  }
0x23: {  	[tilespmem:s18], [sflag:$0x1] =	stream.linear.gather [hbm4b:s10+s2], $0x2710, $0x38;
	[tilespmem:$0x18980] =	vst v63  }
0x24: {  	s30 =	simm.s32 $0x0  }
0x25: {  	[tilespmem:s19], [sflag:$0x1] =	stream.linear.gather [hbm4b:s12+s2], $0x2710, $0x38;
	[tilespmem:$0x18980] =	vst v63  }
.LBB2_2:
0x26: {  	s0 =	smul.u32 $0x4E20, s30;
	_ =	sdelay $0x1  }
0x27: {  	s31 =	sadd.s32 $0x2710, s0  }
0x28: {  	s14 =	sshrl.u32 s0, $0x3;
	s1 =	sshrl.u32 s31, $0x3  }
0x29: {  	s14 =	sadd.s32 s10, s14;
	s1 =	sadd.s32 s10, s1  }
0x2a: {  	[tilespmem:s20], [sflag:$0x2] =	stream.linear.gather [hbm4b:s1+s2], $0x2710, $0x38;
	[tilespmem:$0x18980] =	vst v63  }
0x2b: {  	s16 =	sadd.s32 $0xA122, s14  }
0x2c: {  	[tilespmem:s21], [sflag:$0x2] =	stream.linear.gather [hbm4b:s16+s2], $0x2710, $0x38;
	[tilespmem:$0x18980] =	vst v63  }
0x2d: {  	_ =	swait.ge [sflag:s22], $0x2710  }
0x2e: {  	[sflag:s22] =	ssyncset.done $0x0  }
0x2f: {  	[sflag:s22] =	ssyncadd.s32 $0xFFFFD8F0  }
0x30: {  	_ =	swait.ge [sflag:s22], $0x2710  }
0x31: {  	p0 =	seq.s32 s30, $0x0;
	[sflag:s22] =	ssyncset.done $0x0  }
0x32: {  	s1 =	simm.s32 @!p0 $0x3;
	[sflag:s22] =	ssyncadd.s32 $0xFFFFD8F0  }
0x33: {  	_ =	swait.ge @!p0 [sflag:s1], $0x2710  }
0x34: {  	[sflag:s1] =	ssyncset.done @!p0 $0x0  }
0x35: {  	s17 =	simm.s32 $0x9CC0;
	[sflag:s1] =	ssyncadd.s32 @!p0 $0xFFFFD8F0  }
0x36: {  	s1 =	simm.s32 $0xC440;
	v0 =	vld [tilespmem:s17+$0x30]  }
0x37: {  	v1 =	vld [tilespmem:s1+$0x30]  }
0x38: {  	v18 =	vld [tilespmem:s1+$0xFFFFFFC0]  }
0x39: {  	v16 =	vld [tilespmem:s17+$0xFFFFFFD0]  }
0x3a: {  	v14 =	vld [tilespmem:s1+$0xFFFFFFD0]  }
0x3b: {  	v9 =	vld [tilespmem:s17+$0xFFFFFFE0]  }
0x3c: {  	v8 =	vld [tilespmem:s1+$0xFFFFFFE0]  }
0x3d: {  	v6 =	vld [tilespmem:s17+$0xFFFFFFF0]  }
0x3e: {  	v17 =	vld [tilespmem:s1+$0xFFFFFFF0]  }
0x3f: {  	v15 =	vld [tilespmem:s17+$0x0]  }
0x40: {  	v12 =	vld [tilespmem:s1+$0x0]  }
0x41: {  	v13 =	vld [tilespmem:s17+$0x10]  }
0x42: {  	v7 =	vld [tilespmem:s1+$0x10]  }
0x43: {  	v19 =	vld [tilespmem:s17+$0xFFFFFFC0]  }
0x44: {  	v2 =	vadd.s32 $0x2710, v0;
	v10 =	vld.idx.msk [tilespmem:v0+s2+$0x0], $0xffff  }
0x45: {  	v3 =	vadd.s32 $0x2710, v1;
	v4 =	vadd.s32 $0x4E20, v0;
	v5 =	vadd.s32 $0x4E20, v1;
	v11 =	vld.idx.msk [tilespmem:v1+s2+$0x0], $0xffff  }
0x46: {  	v22 =	vadd.s32 $0x2710, v18;
	v23 =	vadd.s32 $0x4E20, v18;
	v24 =	vadd.s32 $0x7530, v18;
	v18 =	vld.idx.msk [tilespmem:v18+s2+$0x0], $0xffff  }
0x47: {  	v25 =	vadd.s32 $0x2710, v16;
	v27 =	vadd.s32 $0x4E20, v16;
	v29 =	vadd.s32 $0x7530, v16;
	v16 =	vld.idx.msk [tilespmem:v16+s2+$0x0], $0xffff  }
0x48: {  	v26 =	vadd.s32 $0x2710, v14;
	v28 =	vadd.s32 $0x4E20, v14;
	v30 =	vadd.s32 $0x7530, v14;
	v14 =	vld.idx.msk [tilespmem:v14+s2+$0x0], $0xffff  }
0x49: {  	v2 =	vld.idx.msk [tilespmem:v2+s2+$0x0], $0xffff  }
0x4a: {  	v3 =	vld.idx.msk [tilespmem:v3+s2+$0x0], $0xffff  }
0x4b: {  	v20 =	vld.idx.msk [tilespmem:v4+s2+$0x0], $0xffff  }
0x4c: {  	v21 =	vld.idx.msk [tilespmem:v5+s2+$0x0], $0xffff  }
0x4d: {  	v5 =	vld [tilespmem:s17+$0x20]  }
0x4e: {  	v4 =	vld [tilespmem:s1+$0x20]  }
0x4f: {  	v22 =	vld.idx.msk [tilespmem:v22+s2+$0x0], $0xffff  }
0x50: {  	v23 =	vld.idx.msk [tilespmem:v23+s2+$0x0], $0xffff  }
0x51: {  	v36 =	vadd.s32 $0x2710, v19;
	v24 =	vld.idx.msk [tilespmem:v24+s2+$0x0], $0xffff  }
0x52: {  	v31 =	vadd.s32 $0x2710, v9;
	v25 =	vld.idx.msk [tilespmem:v25+s2+$0x0], $0xffff  }
0x53: {  	v33 =	vadd.s32 $0x4E20, v9;
	v37 =	vld.idx.msk [tilespmem:v26+s2+$0x0], $0xffff  }
0x54: {  	v32 =	vadd.s32 $0x2710, v8;
	v34 =	vadd.s32 $0x4E20, v8;
	v35 =	vadd.s32 $0x7530, v9;
	v27 =	vld.idx.msk [tilespmem:v27+s2+$0x0], $0xffff  }
0x55: {  	v38 =	vadd.s32 $0x7530, v8;
	v39 =	vadd.s32 $0x2710, v6;
	v0 =	vadd.s32 $0x7530, v0;
	v28 =	vld.idx.msk [tilespmem:v28+s2+$0x0], $0xffff  }
0x56: {  	v61 =	vadd.s32 $0x4E20, v6;
	v62 =	vadd.s32 $0x7530, v6;
	v1 =	vadd.s32 $0x7530, v1;
	v60 =	vld.idx.msk [tilespmem:v36+s2+$0x0], $0xffff  }
0x57: {  	v40 =	vadd.s32 $0x2710, v17;
	v41 =	vadd.s32 $0x4E20, v17;
	v42 =	vadd.s32 $0x7530, v17;
	v31 =	vld.idx.msk [tilespmem:v31+s2+$0x0], $0xffff  }
0x58: {  	v63 =	vadd.s32 $0x2710, v12;
	v43 =	vadd.s32 $0x4E20, v15;
	v50 =	vadd.s32 $0x7530, v13;
	v33 =	vld.idx.msk [tilespmem:v33+s2+$0x0], $0xffff  }
0x59: {  	v44 =	vadd.s32 $0x4E20, v12;
	v45 =	vadd.s32 $0x7530, v15;
	v51 =	vadd.s32 $0x7530, v7;
	v35 =	vld.idx.msk [tilespmem:v35+s2+$0x0], $0xffff  }
0x5a: {  	v46 =	vadd.s32 $0x2710, v13;
	v47 =	vadd.s32 $0x2710, v7;
	v48 =	vadd.s32 $0x4E20, v13;
	v0 =	vld.idx.msk [tilespmem:v0+s2+$0x0], $0xffff  }
0x5b: {  	v49 =	vadd.s32 $0x4E20, v7;
	v1 =	vld.idx.msk [tilespmem:v1+s2+$0x0], $0xffff;
	v10 =	vmul.bf16 v11, v10;
	v11 =	vadd.s32 $0x4E20, v19  }
0x5c: {  	v38 =	vld.idx.msk [tilespmem:v38+s2+$0x0], $0xffff;
	v16 =	vmul.bf16 v14, v16;
	v2 =	vmul.bf16 v3, v2;
	v3 =	vadd.s32 $0x7530, v19  }
0x5d: {  	v50 =	vld.idx.msk [tilespmem:v50+s2+$0x0], $0xffff;
	v26 =	vunpack.i.u.bf16.f32 v10;
	v10 =	vunpack.i.l.bf16.f32 v10;
	v20 =	vmul.bf16 v21, v20  }
0x5e: {  	v51 =	vld.idx.msk [tilespmem:v51+s2+$0x0], $0xffff;
	v52 =	vadd.s32 $0x2710, v5;
	v53 =	vadd.s32 $0x4E20, v4;
	v27 =	vmul.bf16 v28, v27  }
0x5f: {  	v21 =	vld.idx.msk [tilespmem:v29+s2+$0x0], $0xffff;
	v36 =	vadd.s32 $0x7530, v5;
	v22 =	vmul.bf16 v22, v60;
	v10 =	vadd.f32 v10, v26  }
0x60: {  	v26 =	vunpack.i.u.bf16.f32 v2;
	v2 =	vunpack.i.l.bf16.f32 v2;
	v0 =	vmul.bf16 v1, v0;
	v1 =	vld.idx.msk [tilespmem:v30+s2+$0x0], $0xffff  }
0x61: {  	v59 =	vunpack.i.u.bf16.f32 v20;
	v20 =	vunpack.i.l.bf16.f32 v20;
	v57 =	vunpack.i.u.bf16.f32 v27;
	v11 =	vld.idx.msk [tilespmem:v11+s2+$0x0], $0xffff  }
0x62: {  	v40 =	vld.idx.msk [tilespmem:v40+s2+$0x0], $0xffff;
	v2 =	vadd.f32 v2, v26;
	v26 =	vunpack.i.u.bf16.f32 v0;
	v0 =	vunpack.i.l.bf16.f32 v0  }
0x63: {  	v56 =	vld.idx.msk [tilespmem:v61+s2+$0x0], $0xffff;
	v27 =	vunpack.i.l.bf16.f32 v27;
	v20 =	vadd.f32 v20, v59;
	v0 =	vadd.f32 v0, v26  }
0x64: {  	v28 =	vmul.bf16 v51, v50;
	v27 =	vadd.f32 v27, v57;
	v59 =	vunpack.i.u.bf16.f32 v22;
	v3 =	vld.idx.msk [tilespmem:v3+s2+$0x0], $0xffff  }
0x65: {  	v22 =	vunpack.i.l.bf16.f32 v22;
	v2 =	vadd.f32 v2, v10;
	v10 =	vld.idx.msk [tilespmem:v32+s2+$0x0], $0xffff;
	v0 =	vadd.f32 v0, v20  }
0x66: {  	v20 =	vadd.s32 $0x2710, v15;
	v1 =	vmul.bf16 v1, v21;
	v21 =	vld.idx.msk [tilespmem:v41+s2+$0x0], $0xffff;
	v11 =	vmul.bf16 v23, v11  }
0x67: {  	v41 =	vadd.f32 v22, v59;
	v26 =	vadd.f32 v0, v2;
	v2 =	vld.idx.msk [tilespmem:v34+s2+$0x0], $0xffff;
	v34 =	vadd.s32 $0x7530, v12  }
0x68: {  	v0 =	vmul.bf16 v37, v25;
	v25 =	vld.idx.msk [tilespmem:v39+s2+$0x0], $0xffff;
	v37 =	vadd.s32 $0x2710, v4;
	v39 =	vadd.s32 $0x4E20, v5  }
0x69: {  	v58 =	vld.idx.msk [tilespmem:v42+s2+$0x0], $0xffff;
	v23 =	vunpack.i.u.bf16.f32 v1;
	v3 =	vmul.bf16 v24, v3;
	v22 =	vunpack.i.u.bf16.f32 v11  }
0x6a: {  	v61 =	vld.idx.msk [tilespmem:v43+s2+$0x0], $0xffff;
	v11 =	vunpack.i.l.bf16.f32 v11;
	v10 =	vmul.bf16 v10, v31;
	v1 =	vunpack.i.l.bf16.f32 v1  }
0x6b: {  	v29 =	vld.idx.msk [tilespmem:v62+s2+$0x0], $0xffff;
	v22 =	vadd.f32 v11, v22;
	v23 =	vadd.f32 v1, v23;
	v54 =	vunpack.i.u.bf16.f32 v0  }
0x6c: {  	v24 =	vld.idx.msk [tilespmem:v63+s2+$0x0], $0xffff;
	v0 =	vunpack.i.l.bf16.f32 v0;
	v60 =	vunpack.i.u.bf16.f32 v3;
	v3 =	vunpack.i.l.bf16.f32 v3  }
0x6d: {  	v63 =	vld.idx.msk [tilespmem:v45+s2+$0x0], $0xffff;
	v11 =	vunpack.i.u.bf16.f32 v10;
	v10 =	vunpack.i.l.bf16.f32 v10;
	v3 =	vadd.f32 v3, v60  }
0x6e: {  	v0 =	vadd.f32 v0, v54;
	v20 =	vld.idx.msk [tilespmem:v20+s2+$0x0], $0xffff;
	v11 =	vadd.f32 v10, v11;
	v10 =	vmul.bf16 v38, v35  }
0x6f: {  	v60 =	vunpack.i.u.bf16.f32 v28;
	v2 =	vmul.bf16 v2, v33;
	v34 =	vld.idx.msk [tilespmem:v34+s2+$0x0], $0xffff;
	v1 =	vadd.f32 v3, v22  }
0x70: {  	v22 =	vld.idx.msk [tilespmem:v46+s2+$0x0], $0xffff;
	v3 =	vunpack.i.u.bf16.f32 v10;
	v10 =	vunpack.i.l.bf16.f32 v10;
	v25 =	vmul.bf16 v40, v25  }
0x71: {  	v28 =	vunpack.i.l.bf16.f32 v28;
	v46 =	vld.idx.msk [tilespmem:v47+s2+$0x0], $0xffff;
	v47 =	vadd.s32 $0x7530, v4;
	v3 =	vadd.f32 v10, v3  }
0x72: {  	v62 =	vld.idx.msk [tilespmem:v44+s2+$0x0], $0xffff;
	v45 =	vunpack.i.u.bf16.f32 v2;
	v2 =	vunpack.i.l.bf16.f32 v2;
	v10 =	vunpack.i.u.bf16.f32 v25  }
0x73: {  	v59 =	vld.idx.msk [tilespmem:v19+s2+$0x0], $0xffff;
	v35 =	vadd.f32 v2, v45;
	v2 =	vadd.f32 v23, v27;
	v23 =	vmul.bf16 v21, v56  }
0x74: {  	v48 =	vld.idx.msk [tilespmem:v48+s2+$0x0], $0xffff;
	v21 =	vunpack.i.l.bf16.f32 v25;
	v25 =	vmul.bf16 v58, v29;
	v20 =	vmul.bf16 v24, v20  }
0x75: {  	v52 =	vld.idx.msk [tilespmem:v52+s2+$0x0], $0xffff;
	v21 =	vadd.f32 v21, v10;
	v10 =	vunpack.i.u.bf16.f32 v23;
	v23 =	vunpack.i.l.bf16.f32 v23  }
0x76: {  	v27 =	vld.idx.msk [tilespmem:v49+s2+$0x0], $0xffff;
	v30 =	vunpack.i.u.bf16.f32 v25;
	v25 =	vunpack.i.l.bf16.f32 v25;
	v55 =	vmul.bf16 v34, v63  }
0x77: {  	v57 =	vld.idx.msk [tilespmem:v53+s2+$0x0], $0xffff;
	v24 =	vmul.bf16 v62, v61;
	v10 =	vadd.f32 v23, v10;
	v23 =	vadd.f32 v25, v30  }
0x78: {  	v18 =	vmul.bf16 v18, v59;
	v25 =	vld.idx.msk [tilespmem:v37+s2+$0x0], $0xffff;
	v34 =	vunpack.i.u.bf16.f32 v55;
	v31 =	vunpack.i.l.bf16.f32 v55  }
0x79: {  	v36 =	vld.idx.msk [tilespmem:v36+s2+$0x0], $0xffff;
	v10 =	vadd.f32 v23, v10;
	v23 =	vunpack.i.u.bf16.f32 v24;
	v24 =	vunpack.i.l.bf16.f32 v24  }
0x7a: {  	v56 =	vld.idx.msk [tilespmem:v39+s2+$0x0], $0xffff;
	v22 =	vmul.bf16 v46, v22;
	v31 =	vadd.f32 v31, v34;
	v23 =	vadd.f32 v24, v23  }
0x7b: {  	v54 =	vunpack.i.u.bf16.f32 v20;
	v20 =	vunpack.i.l.bf16.f32 v20;
	v58 =	vld.idx.msk [tilespmem:v47+s2+$0x0], $0xffff;
	v27 =	vmul.bf16 v27, v48  }
0x7c: {  	v24 =	vadd.f32 v20, v54;
	v20 =	vunpack.i.u.bf16.f32 v22;
	v19 =	vadd.f32 v31, v23  }
0x7d: {  	v23 =	vunpack.i.u.bf16.f32 v27;
	v27 =	vunpack.i.l.bf16.f32 v27;
	v25 =	vmul.bf16 v25, v52  }
0x7e: {  	v9 =	vld.idx.msk [tilespmem:v9+s2+$0x0], $0xffff;
	v22 =	vunpack.i.l.bf16.f32 v22;
	v23 =	vadd.f32 v27, v23;
	v27 =	vadd.f32 v28, v60  }
0x7f: {  	v62 =	vld.idx.msk [tilespmem:v6+s2+$0x0], $0xffff;
	v61 =	vmul.bf16 v57, v56;
	v22 =	vadd.f32 v22, v20;
	v20 =	vunpack.i.u.bf16.f32 v25  }
0x80: {  	v25 =	vunpack.i.l.bf16.f32 v25;
	v23 =	vadd.f32 v27, v23;
	v27 =	vld.idx.msk [tilespmem:v8+s2+$0x0], $0xffff;
	v8 =	vmul.bf16 v58, v36  }
0x81: {  	v63 =	vld.idx.msk [tilespmem:v17+s2+$0x0], $0xffff;
	v28 =	vunpack.i.l.bf16.f32 v61;
	v25 =	vadd.f32 v25, v20;
	v20 =	vunpack.i.u.bf16.f32 v61  }
0x82: {  	v14 =	vld.idx.msk [tilespmem:v12+s2+$0x0], $0xffff;
	v20 =	vadd.f32 v28, v20;
	v17 =	vunpack.i.u.bf16.f32 v8;
	v8 =	vunpack.i.l.bf16.f32 v8  }
0x83: {  	v6 =	vld.idx.msk [tilespmem:v15+s2+$0x0], $0xffff;
	v15 =	vadd.f32 v8, v17;
	v8 =	vunpack.i.u.bf16.f32 v18;
	v17 =	vunpack.i.l.bf16.f32 v18  }
0x84: {  	v12 =	vadd.f32 v17, v8;
	v8 =	vld.idx.msk [tilespmem:v13+s2+$0x0], $0xffff;
	v13 =	vunpack.i.u.bf16.f32 v16  }
0x85: {  	v7 =	vld.idx.msk [tilespmem:v7+s2+$0x0], $0xffff;
	v20 =	vadd.f32 v15, v20;
	v15 =	vunpack.i.l.bf16.f32 v16;
	v17 =	vmul.bf16 v27, v9  }
0x86: {  	s14 =	simm.s32 $0xEBC0;
	v3 =	vadd.f32 v3, v35;
	v9 =	vld.idx.msk [tilespmem:v5+s2+$0x0], $0xffff;
	v5 =	vmul.bf16 v63, v62;
	v15 =	vadd.f32 v15, v13  }
0x87: {  	s15 =	simm.s32 $0xEBC0;
	s16 =	simm.s32 $0x0;
	s17 =	simm.s32 $0x9D40;
	[tilespmem:s14+$0x30] =	vst v26;
	v12 =	vadd.f32 v41, v12;
	v13 =	vld.idx.msk [tilespmem:v4+s2+$0x0], $0xffff;
	v16 =	vunpack.i.u.bf16.f32 v17;
	v17 =	vunpack.i.l.bf16.f32 v17  }
.LBB2_3:
0x88: {  	v18 =	vld [tilespmem:s17+$0x30];
	v15 =	vadd.f32 v0, v15;
	v0 =	vadd.f32 v17, v16;
	s1 =	sadd.s32 $0x80, s1  }
0x89: {  	v6 =	vmul.bf16 v14, v6;
	v16 =	vld [tilespmem:s1+$0x30];
	v4 =	vunpack.i.u.bf16.f32 v5;
	v17 =	vunpack.i.l.bf16.f32 v5  }
0x8a: {  	v5 =	vld [tilespmem:s1+$0xFFFFFFC0];
	v29 =	vadd.f32 v11, v0;
	v0 =	vadd.f32 v17, v4  }
0x8b: {  	v11 =	vunpack.i.u.bf16.f32 v6;
	v6 =	vunpack.i.l.bf16.f32 v6;
	v14 =	vmul.bf16 v7, v8;
	v4 =	vld [tilespmem:s17+$0xFFFFFFD0]  }
0x8c: {  	v7 =	vld [tilespmem:s1+$0xFFFFFFD0];
	v17 =	vadd.f32 v21, v0;
	v0 =	vadd.f32 v6, v11  }
0x8d: {  	s16 =	sadd.s32 $0x80, s16;
	v32 =	vunpack.i.u.bf16.f32 v14;
	v13 =	vmul.bf16 v13, v9;
	v6 =	vld [tilespmem:s17+$0xFFFFFFE0];
	v11 =	vadd.s32 $0x2710, v18  }
0x8e: {  	p1 =	slt.u32 s16, $0x2680;
	v14 =	vunpack.i.l.bf16.f32 v14;
	v8 =	vld [tilespmem:s1+$0xFFFFFFE0];
	v21 =	vadd.s32 $0x2710, v16;
	v33 =	vadd.f32 v24, v0  }
0x8f: {  	v24 =	vadd.s32 $0x4E20, v18;
	v34 =	vadd.s32 $0x2710, v5;
	v35 =	vadd.s32 $0x4E20, v5;
	v9 =	vld [tilespmem:s17+$0xFFFFFFF0]  }
0x90: {  	v39 =	vadd.s32 $0x4E20, v16;
	v36 =	vadd.s32 $0x7530, v5;
	v37 =	vadd.s32 $0x2710, v4;
	v38 =	vld.idx.msk [tilespmem:v18+s2+$0x0], $0xffff  }
0x91: {  	v41 =	vadd.s32 $0x4E20, v4;
	v18 =	vadd.s32 $0x7530, v18;
	v40 =	vadd.s32 $0x2710, v7;
	v42 =	vld.idx.msk [tilespmem:v16+s2+$0x0], $0xffff  }
0x92: {  	v44 =	vadd.s32 $0x7530, v4;
	v43 =	vadd.s32 $0x4E20, v7;
	v16 =	vadd.s32 $0x7530, v16;
	v45 =	vld.idx.msk [tilespmem:v11+s2+$0x0], $0xffff  }
0x93: {  	v46 =	vadd.s32 $0x7530, v7;
	v0 =	vadd.s32 $0x2710, v6;
	v31 =	vadd.s32 $0x2710, v8;
	v47 =	vld.idx.msk [tilespmem:v21+s2+$0x0], $0xffff  }
0x94: {  	v30 =	vadd.s32 $0x4E20, v6;
	v27 =	vadd.s32 $0x7530, v6;
	v28 =	vadd.s32 $0x4E20, v8;
	v48 =	vld.idx.msk [tilespmem:v24+s2+$0x0], $0xffff  }
0x95: {  	v26 =	vadd.s32 $0x7530, v8;
	v24 =	vadd.s32 $0x2710, v9;
	v11 =	vadd.s32 $0x4E20, v9;
	v39 =	vld.idx.msk [tilespmem:v39+s2+$0x0], $0xffff  }
0x96: {  	v49 =	vunpack.i.u.bf16.f32 v13;
	v13 =	vunpack.i.l.bf16.f32 v13;
	v21 =	vadd.s32 $0x7530, v9;
	v18 =	vld.idx.msk [tilespmem:v18+s2+$0x0], $0xffff  }
0x97: {  	v50 =	vld.idx.msk [tilespmem:v16+s2+$0x0], $0xffff;
	v16 =	vadd.f32 v14, v32;
	v32 =	vadd.f32 v13, v49  }
0x98: {  	v1 =	vadd.f32 v1, v12;
	v2 =	vadd.f32 v2, v15;
	v13 =	vld [tilespmem:s1+$0xFFFFFFF0]  }
0x99: {  	v14 =	vld [tilespmem:s17+$0x0];
	v16 =	vadd.f32 v22, v16;
	v49 =	vadd.f32 v25, v32  }
0x9a: {  	v22 =	vmul.bf16 v42, v38;
	v12 =	vld [tilespmem:s1+$0x0];
	[tilespmem:s14+$0xFFFFFFC0] =	vst v1;
	v1 =	vadd.f32 v3, v29;
	v3 =	vadd.f32 v10, v17  }
0x9b: {  	v10 =	vmul.bf16 v47, v45;
	v15 =	vld [tilespmem:s17+$0x10];
	[tilespmem:s14+$0xFFFFFFD0] =	vst v2;
	v2 =	vadd.f32 v19, v33;
	v19 =	vadd.f32 v23, v16  }
0x9c: {  	v25 =	vmul.bf16 v39, v48;
	v23 =	vunpack.i.u.bf16.f32 v22;
	v22 =	vunpack.i.l.bf16.f32 v22;
	v16 =	vld [tilespmem:s1+$0x10];
	[tilespmem:s14+$0xFFFFFFE0] =	vst v1  }
0x9d: {  	v1 =	vadd.f32 v22, v23;
	v22 =	vunpack.i.u.bf16.f32 v10;
	v29 =	vmul.bf16 v50, v18;
	v17 =	vld [tilespmem:s17+$0x20];
	[tilespmem:s14+$0xFFFFFFF0] =	vst v3  }
0x9e: {  	v3 =	vunpack.i.l.bf16.f32 v10;
	v10 =	vunpack.i.u.bf16.f32 v25;
	v25 =	vunpack.i.l.bf16.f32 v25;
	v18 =	vld [tilespmem:s1+$0x20];
	[tilespmem:s14+$0x0] =	vst v2  }
0x9f: {  	v2 =	vadd.f32 v3, v22;
	v3 =	vunpack.i.u.bf16.f32 v29;
	v22 =	vunpack.i.l.bf16.f32 v29;
	v23 =	vld [tilespmem:s17+$0xFFFFFFC0];
	[tilespmem:s14+$0x10] =	vst v19  }
0xa0: {  	v10 =	vadd.f32 v25, v10;
	v3 =	vadd.f32 v22, v3;
	v33 =	vld.idx.msk [tilespmem:v34+s2+$0x0], $0xffff;
	v34 =	vadd.s32 $0x2710, v13  }
0xa1: {  	v38 =	vadd.s32 $0x4E20, v13;
	v39 =	vadd.s32 $0x7530, v13;
	v42 =	vadd.s32 $0x2710, v14;
	v35 =	vld.idx.msk [tilespmem:v35+s2+$0x0], $0xffff  }
0xa2: {  	v45 =	vadd.s32 $0x2710, v12;
	v1 =	vadd.f32 v2, v1;
	v2 =	vadd.f32 v3, v10;
	v36 =	vld.idx.msk [tilespmem:v36+s2+$0x0], $0xffff  }
0xa3: {  	v47 =	vadd.s32 $0x7530, v14;
	v10 =	vadd.s32 $0x4E20, v14;
	v3 =	vld.idx.msk [tilespmem:v37+s2+$0x0], $0xffff;
	v37 =	vadd.s32 $0x4E20, v12  }
0xa4: {  	v1 =	vadd.f32 v2, v1;
	v25 =	vadd.s32 $0x2710, v23;
	v48 =	vadd.s32 $0x4E20, v23;
	v40 =	vld.idx.msk [tilespmem:v40+s2+$0x0], $0xffff  }
0xa5: {  	v50 =	vadd.s32 $0x7530, v12;
	s14 =	sadd.s32 $0x80, s14;
	v51 =	vadd.s32 $0x2710, v15;
	v2 =	vadd.s32 $0x7530, v23;
	v41 =	vld.idx.msk [tilespmem:v41+s2+$0x0], $0xffff  }
0xa6: {  	v53 =	vadd.s32 $0x4E20, v15;
	v52 =	vadd.s32 $0x2710, v16;
	v54 =	vadd.s32 $0x4E20, v16;
	v43 =	vld.idx.msk [tilespmem:v43+s2+$0x0], $0xffff;
	[tilespmem:s14+$0x30] =	vst v1  }
0xa7: {  	v55 =	vadd.s32 $0x7530, v16;
	v56 =	vadd.s32 $0x2710, v17;
	v1 =	vld.idx.msk [tilespmem:v44+s2+$0x0], $0xffff;
	v44 =	vadd.s32 $0x7530, v15  }
0xa8: {  	v22 =	vadd.s32 $0x4E20, v17;
	v32 =	vadd.s32 $0x2710, v18;
	v19 =	vadd.s32 $0x4E20, v18;
	v46 =	vld.idx.msk [tilespmem:v46+s2+$0x0], $0xffff  }
0xa9: {  	v20 =	vadd.f32 v20, v49;
	v29 =	vadd.s32 $0x7530, v17;
	v57 =	vld.idx.msk [tilespmem:v25+s2+$0x0], $0xffff;
	v25 =	vadd.s32 $0x7530, v18  }
0xaa: {  	v3 =	vmul.bf16 v40, v3;
	v48 =	vld.idx.msk [tilespmem:v48+s2+$0x0], $0xffff  }
0xab: {  	v2 =	vld.idx.msk [tilespmem:v2+s2+$0x0], $0xffff;
	[tilespmem:s15+$0x20] =	vst v20;
	s15 =	smov.u32 s14  }
0xac: {  	v20 =	vunpack.i.u.bf16.f32 v3;
	v3 =	vunpack.i.l.bf16.f32 v3;
	v40 =	vmul.bf16 v43, v41;
	v41 =	vld.idx.msk [tilespmem:v0+s2+$0x0], $0xffff  }
0xad: {  	v0 =	vadd.f32 v3, v20;
	v3 =	vld.idx.msk [tilespmem:v31+s2+$0x0], $0xffff  }
0xae: {  	v20 =	vunpack.i.u.bf16.f32 v40;
	v31 =	vunpack.i.l.bf16.f32 v40;
	v1 =	vmul.bf16 v46, v1;
	v30 =	vld.idx.msk [tilespmem:v30+s2+$0x0], $0xffff  }
0xaf: {  	v33 =	vmul.bf16 v33, v57;
	v20 =	vadd.f32 v31, v20;
	v28 =	vld.idx.msk [tilespmem:v28+s2+$0x0], $0xffff  }
0xb0: {  	v31 =	vmul.bf16 v35, v48;
	v35 =	vunpack.i.u.bf16.f32 v1;
	v1 =	vunpack.i.l.bf16.f32 v1;
	v27 =	vld.idx.msk [tilespmem:v27+s2+$0x0], $0xffff  }
0xb1: {  	v40 =	vunpack.i.u.bf16.f32 v33;
	v33 =	vunpack.i.l.bf16.f32 v33;
	v2 =	vmul.bf16 v36, v2;
	v36 =	vld.idx.msk [tilespmem:v26+s2+$0x0], $0xffff  }
0xb2: {  	v26 =	vadd.f32 v33, v40;
	v33 =	vunpack.i.u.bf16.f32 v31;
	v31 =	vunpack.i.l.bf16.f32 v31;
	v24 =	vld.idx.msk [tilespmem:v24+s2+$0x0], $0xffff  }
0xb3: {  	v40 =	vunpack.i.u.bf16.f32 v2;
	v2 =	vunpack.i.l.bf16.f32 v2;
	v3 =	vmul.bf16 v3, v41;
	v34 =	vld.idx.msk [tilespmem:v34+s2+$0x0], $0xffff  }
0xb4: {  	v31 =	vadd.f32 v31, v33;
	v2 =	vadd.f32 v2, v40;
	v33 =	vld.idx.msk [tilespmem:v11+s2+$0x0], $0xffff  }
0xb5: {  	v11 =	vunpack.i.u.bf16.f32 v3;
	v3 =	vunpack.i.l.bf16.f32 v3;
	v28 =	vmul.bf16 v28, v30;
	v30 =	vld.idx.msk [tilespmem:v38+s2+$0x0], $0xffff  }
0xb6: {  	v35 =	vadd.f32 v1, v35;
	v11 =	vadd.f32 v3, v11;
	v38 =	vld.idx.msk [tilespmem:v21+s2+$0x0], $0xffff  }
0xb7: {  	v3 =	vunpack.i.u.bf16.f32 v28;
	v21 =	vunpack.i.l.bf16.f32 v28;
	v27 =	vmul.bf16 v36, v27;
	v28 =	vld.idx.msk [tilespmem:v39+s2+$0x0], $0xffff  }
0xb8: {  	v1 =	vadd.f32 v2, v31;
	v3 =	vadd.f32 v21, v3;
	v31 =	vld.idx.msk [tilespmem:v42+s2+$0x0], $0xffff  }
0xb9: {  	v21 =	vunpack.i.u.bf16.f32 v27;
	v27 =	vunpack.i.l.bf16.f32 v27;
	v24 =	vmul.bf16 v34, v24;
	v34 =	vld.idx.msk [tilespmem:v45+s2+$0x0], $0xffff  }
0xba: {  	v2 =	vadd.f32 v35, v20;
	v20 =	vadd.f32 v27, v21;
	v10 =	vld.idx.msk [tilespmem:v10+s2+$0x0], $0xffff  }
0xbb: {  	v21 =	vunpack.i.u.bf16.f32 v24;
	v24 =	vunpack.i.l.bf16.f32 v24;
	v27 =	vmul.bf16 v30, v33;
	v30 =	vld.idx.msk [tilespmem:v37+s2+$0x0], $0xffff  }
0xbc: {  	v3 =	vadd.f32 v20, v3;
	v21 =	vadd.f32 v24, v21;
	v20 =	vld.idx.msk [tilespmem:v47+s2+$0x0], $0xffff  }
0xbd: {  	v24 =	vunpack.i.u.bf16.f32 v27;
	v27 =	vunpack.i.l.bf16.f32 v27;
	v28 =	vmul.bf16 v28, v38;
	v33 =	vld.idx.msk [tilespmem:v50+s2+$0x0], $0xffff  }
0xbe: {  	v24 =	vadd.f32 v27, v24;
	v27 =	vld.idx.msk [tilespmem:v51+s2+$0x0], $0xffff  }
0xbf: {  	v35 =	vunpack.i.u.bf16.f32 v28;
	v28 =	vunpack.i.l.bf16.f32 v28;
	v31 =	vmul.bf16 v34, v31;
	v34 =	vld.idx.msk [tilespmem:v52+s2+$0x0], $0xffff  }
0xc0: {  	v28 =	vadd.f32 v28, v35;
	v35 =	vld.idx.msk [tilespmem:v53+s2+$0x0], $0xffff  }
0xc1: {  	v36 =	vunpack.i.u.bf16.f32 v31;
	v31 =	vunpack.i.l.bf16.f32 v31;
	v30 =	vmul.bf16 v30, v10;
	v37 =	vld.idx.msk [tilespmem:v54+s2+$0x0], $0xffff  }
0xc2: {  	v10 =	vadd.f32 v28, v24;
	v24 =	vadd.f32 v31, v36;
	v28 =	vld.idx.msk [tilespmem:v44+s2+$0x0], $0xffff  }
0xc3: {  	v31 =	vunpack.i.u.bf16.f32 v30;
	v30 =	vunpack.i.l.bf16.f32 v30;
	v20 =	vmul.bf16 v33, v20;
	v33 =	vld.idx.msk [tilespmem:v55+s2+$0x0], $0xffff  }
0xc4: {  	v30 =	vadd.f32 v30, v31;
	v31 =	vld.idx.msk [tilespmem:v56+s2+$0x0], $0xffff  }
0xc5: {  	v36 =	vunpack.i.u.bf16.f32 v20;
	v20 =	vunpack.i.l.bf16.f32 v20;
	v27 =	vmul.bf16 v34, v27;
	v32 =	vld.idx.msk [tilespmem:v32+s2+$0x0], $0xffff  }
0xc6: {  	v20 =	vadd.f32 v20, v36;
	v34 =	vld.idx.msk [tilespmem:v22+s2+$0x0], $0xffff  }
0xc7: {  	v22 =	vunpack.i.u.bf16.f32 v27;
	v27 =	vunpack.i.l.bf16.f32 v27;
	v35 =	vmul.bf16 v37, v35;
	v36 =	vld.idx.msk [tilespmem:v19+s2+$0x0], $0xffff  }
0xc8: {  	v19 =	vadd.f32 v20, v30;
	v22 =	vadd.f32 v27, v22;
	v20 =	vld.idx.msk [tilespmem:v29+s2+$0x0], $0xffff  }
0xc9: {  	v27 =	vunpack.i.u.bf16.f32 v35;
	v29 =	vunpack.i.l.bf16.f32 v35;
	v28 =	vmul.bf16 v33, v28;
	v30 =	vld.idx.msk [tilespmem:v25+s2+$0x0], $0xffff  }
0xca: {  	v33 =	vld.idx.msk [tilespmem:v23+s2+$0x0], $0xffff;
	v23 =	vadd.f32 v29, v27  }
0xcb: {  	v25 =	vunpack.i.u.bf16.f32 v28;
	v27 =	vunpack.i.l.bf16.f32 v28;
	v28 =	vmul.bf16 v32, v31;
	v5 =	vld.idx.msk [tilespmem:v5+s2+$0x0], $0xffff  }
0xcc: {  	v25 =	vadd.f32 v27, v25;
	v4 =	vld.idx.msk [tilespmem:v4+s2+$0x0], $0xffff  }
0xcd: {  	v27 =	vunpack.i.u.bf16.f32 v28;
	v28 =	vunpack.i.l.bf16.f32 v28;
	v29 =	vmul.bf16 v36, v34;
	v7 =	vld.idx.msk [tilespmem:v7+s2+$0x0], $0xffff  }
0xce: {  	v23 =	vadd.f32 v25, v23;
	v25 =	vadd.f32 v28, v27;
	v31 =	vld.idx.msk [tilespmem:v6+s2+$0x0], $0xffff  }
0xcf: {  	v6 =	vunpack.i.u.bf16.f32 v29;
	v20 =	vmul.bf16 v30, v20;
	v27 =	vld.idx.msk [tilespmem:v8+s2+$0x0], $0xffff;
	v8 =	vunpack.i.l.bf16.f32 v29  }
0xd0: {  	v28 =	vld.idx.msk [tilespmem:v9+s2+$0x0], $0xffff;
	v9 =	vadd.f32 v8, v6  }
0xd1: {  	v5 =	vmul.bf16 v5, v33;
	v8 =	vunpack.i.u.bf16.f32 v20;
	v20 =	vunpack.i.l.bf16.f32 v20;
	v13 =	vld.idx.msk [tilespmem:v13+s2+$0x0], $0xffff  }
0xd2: {  	v20 =	vadd.f32 v20, v8;
	v6 =	vld.idx.msk [tilespmem:v14+s2+$0x0], $0xffff  }
.Ltmp0:
0xd3: {  	v8 =	vunpack.i.u.bf16.f32 v5;
	v5 =	vunpack.i.l.bf16.f32 v5;
	v4 =	vmul.bf16 v7, v4;
	v14 =	vld.idx.msk [tilespmem:v12+s2+$0x0], $0xffff;
	(pc) =	sbr.rel @p1 .LBB2_3-.Ltmp0, $4  }
0xd4: {  	v5 =	vadd.f32 v5, v8;
	v20 =	vadd.f32 v20, v9;
	v8 =	vld.idx.msk [tilespmem:v15+s2+$0x0], $0xffff  }
0xd5: {  	v9 =	vunpack.i.u.bf16.f32 v4;
	v4 =	vunpack.i.l.bf16.f32 v4;
	v27 =	vmul.bf16 v27, v31;
	v7 =	vld.idx.msk [tilespmem:v16+s2+$0x0], $0xffff  }
0xd6: {  	v12 =	vadd.f32 v26, v5;
	v15 =	vadd.f32 v4, v9;
	v9 =	vld.idx.msk [tilespmem:v17+s2+$0x0], $0xffff  }
0xd7: {  	s17 =	sadd.s32 $0x80, s17;
	v16 =	vunpack.i.u.bf16.f32 v27;
	v17 =	vunpack.i.l.bf16.f32 v27;
	v5 =	vmul.bf16 v13, v28;
	v13 =	vld.idx.msk [tilespmem:v18+s2+$0x0], $0xffff  }
0xd8: {  	v4 =	vmul.bf16 v14, v6;
	v6 =	vadd.f32 v17, v16;
	v0 =	vadd.f32 v0, v15  }
0xd9: {  	v1 =	vadd.f32 v1, v12;
	v14 =	vunpack.i.u.bf16.f32 v5;
	v5 =	vunpack.i.l.bf16.f32 v5  }
0xda: {  	v16 =	vunpack.i.u.bf16.f32 v4;
	v4 =	vunpack.i.l.bf16.f32 v4;
	v5 =	vadd.f32 v5, v14  }
0xdb: {  	v7 =	vmul.bf16 v7, v8;
	v6 =	vadd.f32 v11, v6;
	v0 =	vadd.f32 v2, v0  }
0xdc: {  	v4 =	vadd.f32 v4, v16;
	v8 =	vmul.bf16 v13, v9;
	v5 =	vadd.f32 v21, v5  }
0xdd: {  	[tilespmem:s14+$0xFFFFFFC0] =	vst v1;
	v9 =	vunpack.i.u.bf16.f32 v7;
	v7 =	vunpack.i.l.bf16.f32 v7;
	v1 =	vadd.f32 v3, v6  }
0xde: {  	v7 =	vadd.f32 v7, v9;
	v11 =	vunpack.i.u.bf16.f32 v8;
	v8 =	vunpack.i.l.bf16.f32 v8  }
0xdf: {  	v4 =	vadd.f32 v24, v4;
	v2 =	vadd.f32 v8, v11  }
0xe0: {  	[tilespmem:s14+$0xFFFFFFD0] =	vst v0;
	v5 =	vadd.f32 v10, v5;
	v3 =	vadd.f32 v22, v7  }
0xe1: {  	[tilespmem:s14+$0xFFFFFFE0] =	vst v1;
	v0 =	vadd.f32 v25, v2;
	v2 =	vadd.f32 v19, v4  }
0xe2: {  	[tilespmem:s14+$0xFFFFFFF0] =	vst v5;
	v1 =	vadd.f32 v23, v3  }
0xe3: {  	[tilespmem:s14+$0x0] =	vst v2;
	v0 =	vadd.f32 v20, v0  }
0xe4: {  	[tilespmem:s14+$0x10] =	vst v1  }
0xe5: {  	[tilespmem:s15+$0x20] =	vst v0  }
0xe6: {  	v0 =	vld [tilespmem:$0xC380]  }
0xe7: {  	v1 =	vld [tilespmem:$0xEB00];
	_ =	sdelay $0x3  }
0xe8: {  	v2 =	vadd.s32 $0x2710, v0  }
0xe9: {  	v3 =	vadd.s32 $0x2710, v1  }
0xea: {  	v4 =	vadd.s32 $0x4E20, v0  }
0xeb: {  	v6 =	vadd.s32 $0x4E20, v1;
	v5 =	vld.idx.msk [tilespmem:v0+s2+$0x0], $0xffff  }
0xec: {  	v7 =	vld.idx.msk [tilespmem:v1+s2+$0x0], $0xffff;
	v0 =	vadd.s32 $0x7530, v0  }
0xed: {  	v1 =	vadd.s32 $0x7530, v1;
	v2 =	vld.idx.msk [tilespmem:v2+s2+$0x0], $0xffff  }
0xee: {  	v3 =	vld.idx.msk [tilespmem:v3+s2+$0x0], $0xffff  }
0xef: {  	v4 =	vld.idx.msk [tilespmem:v4+s2+$0x0], $0xffff  }
0xf0: {  	v6 =	vld.idx.msk [tilespmem:v6+s2+$0x0], $0xffff  }
0xf1: {  	v0 =	vld.idx.msk [tilespmem:v0+s2+$0x0], $0xffff  }
0xf2: {  	v1 =	vld.idx.msk [tilespmem:v1+s2+$0x0], $0xffff;
	_ =	sdelay $0x1  }
0xf3: {  	v5 =	vmul.bf16 v7, v5  }
0xf4: {  	v2 =	vmul.bf16 v3, v2  }
0xf5: {  	v3 =	vunpack.i.u.bf16.f32 v5;
	v5 =	vunpack.i.l.bf16.f32 v5;
	v4 =	vmul.bf16 v6, v4  }
0xf6: {  	v6 =	vunpack.i.u.bf16.f32 v2;
	v2 =	vunpack.i.l.bf16.f32 v2;
	v0 =	vmul.bf16 v1, v0  }
0xf7: {  	v1 =	vadd.f32 v5, v3;
	v2 =	vadd.f32 v2, v6;
	v3 =	vunpack.i.u.bf16.f32 v4  }
0xf8: {  	v4 =	vunpack.i.l.bf16.f32 v4;
	v5 =	vunpack.i.u.bf16.f32 v0;
	v0 =	vunpack.i.l.bf16.f32 v0  }
0xf9: {  	v3 =	vadd.f32 v4, v3;
	v0 =	vadd.f32 v0, v5;
	_ =	sdelay $0x1  }
0xfa: {  	v1 =	vadd.f32 v2, v1;
	v0 =	vadd.f32 v0, v3;
	_ =	sdelay $0x1  }
0xfb: {  	s1 =	sadd.s32 s0, s9;
	p1 =	seq.s32 s30, $0xF;
	v0 =	vadd.f32 v0, v1  }
0xfc: {  	s1 =	sshrl.u32 s1, $0x3;
	s0 =	sshrl.u32 @!p1 s0, $0x3  }
0xfd: {  	s1 =	sadd.s32 s3, s1;
	s0 =	sadd.s32 @!p1 s10, s0;
	[tilespmem:$0x11280] =	vst v0  }
0xfe: {  	[hbm4b:s1+s2] =	stream.linear.scatter [tilespmem:s23], [sflag:$0x3], $0x2710, $0x38;
	[tilespmem:$0x18980] =	vst v63  }
0xff: {  	s14 =	simm.s32 @!p1 $0x0;
	s15 =	simm.s32 @!p1 $0x9C80;
	s1 =	sadd.s32 @!p1 $0x9C4, s0  }
0x100: {  	[tilespmem:s15], [sflag:$0x1] =	stream.linear.gather @!p1 [hbm4b:s1+s14], $0x2710, $0x38;
	[tilespmem:$0x18980] =	vst v63  }
0x101: {  	s0 =	sadd.s32 @!p1 $0xA604, s0;
	s1 =	simm.s32 @!p1 $0xC400  }
0x102: {  	[tilespmem:s1], [sflag:$0x1] =	stream.linear.gather @!p1 [hbm4b:s0+s14], $0x2710, $0x38;
	[tilespmem:$0x18980] =	vst v63  }
0x103: {  	_ =	swait.ge [sflag:s24], $0x2710  }
0x104: {  	[sflag:s24] =	ssyncset.done $0x0  }
0x105: {  	[sflag:s24] =	ssyncadd.s32 $0xFFFFD8F0  }
0x106: {  	_ =	swait.ge [sflag:s24], $0x2710  }
0x107: {  	[sflag:s24] =	ssyncset.done $0x0  }
0x108: {  	s0 =	simm.s32 @!p0 $0x4;
	[sflag:s24] =	ssyncadd.s32 $0xFFFFD8F0  }
0x109: {  	_ =	swait.ge @!p0 [sflag:s0], $0x2710  }
0x10a: {  	[sflag:s0] =	ssyncset.done @!p0 $0x0  }
0x10b: {  	s17 =	simm.s32 $0x11340;
	[sflag:s0] =	ssyncadd.s32 @!p0 $0xFFFFD8F0  }
0x10c: {  	s0 =	simm.s32 $0x13AC0;
	v0 =	vld [tilespmem:s17+$0x30]  }
0x10d: {  	v1 =	vld [tilespmem:s0+$0x30]  }
0x10e: {  	v18 =	vld [tilespmem:s0+$0xFFFFFFC0]  }
0x10f: {  	v16 =	vld [tilespmem:s17+$0xFFFFFFD0]  }
0x110: {  	v14 =	vld [tilespmem:s0+$0xFFFFFFD0]  }
0x111: {  	v9 =	vld [tilespmem:s17+$0xFFFFFFE0]  }
0x112: {  	v8 =	vld [tilespmem:s0+$0xFFFFFFE0]  }
0x113: {  	v6 =	vld [tilespmem:s17+$0xFFFFFFF0]  }
0x114: {  	v17 =	vld [tilespmem:s0+$0xFFFFFFF0]  }
0x115: {  	v15 =	vld [tilespmem:s17+$0x0]  }
0x116: {  	v12 =	vld [tilespmem:s0+$0x0]  }
0x117: {  	v13 =	vld [tilespmem:s17+$0x10]  }
0x118: {  	v7 =	vld [tilespmem:s0+$0x10]  }
0x119: {  	v19 =	vld [tilespmem:s17+$0xFFFFFFC0]  }
0x11a: {  	v2 =	vadd.s32 $0x2710, v0;
	v10 =	vld.idx.msk [tilespmem:v0+s2+$0x0], $0xffff  }
0x11b: {  	v3 =	vadd.s32 $0x2710, v1;
	v4 =	vadd.s32 $0x4E20, v0;
	v5 =	vadd.s32 $0x4E20, v1;
	v11 =	vld.idx.msk [tilespmem:v1+s2+$0x0], $0xffff  }
0x11c: {  	v22 =	vadd.s32 $0x2710, v18;
	v23 =	vadd.s32 $0x4E20, v18;
	v24 =	vadd.s32 $0x7530, v18;
	v18 =	vld.idx.msk [tilespmem:v18+s2+$0x0], $0xffff  }
0x11d: {  	v25 =	vadd.s32 $0x2710, v16;
	v27 =	vadd.s32 $0x4E20, v16;
	v29 =	vadd.s32 $0x7530, v16;
	v16 =	vld.idx.msk [tilespmem:v16+s2+$0x0], $0xffff  }
0x11e: {  	v26 =	vadd.s32 $0x2710, v14;
	v28 =	vadd.s32 $0x4E20, v14;
	v30 =	vadd.s32 $0x7530, v14;
	v14 =	vld.idx.msk [tilespmem:v14+s2+$0x0], $0xffff  }
0x11f: {  	v2 =	vld.idx.msk [tilespmem:v2+s2+$0x0], $0xffff  }
0x120: {  	v3 =	vld.idx.msk [tilespmem:v3+s2+$0x0], $0xffff  }
0x121: {  	v20 =	vld.idx.msk [tilespmem:v4+s2+$0x0], $0xffff  }
0x122: {  	v21 =	vld.idx.msk [tilespmem:v5+s2+$0x0], $0xffff  }
0x123: {  	v5 =	vld [tilespmem:s17+$0x20]  }
0x124: {  	v4 =	vld [tilespmem:s0+$0x20]  }
0x125: {  	v22 =	vld.idx.msk [tilespmem:v22+s2+$0x0], $0xffff  }
0x126: {  	v23 =	vld.idx.msk [tilespmem:v23+s2+$0x0], $0xffff  }
0x127: {  	v36 =	vadd.s32 $0x2710, v19;
	v24 =	vld.idx.msk [tilespmem:v24+s2+$0x0], $0xffff  }
0x128: {  	v31 =	vadd.s32 $0x2710, v9;
	v25 =	vld.idx.msk [tilespmem:v25+s2+$0x0], $0xffff  }
0x129: {  	v33 =	vadd.s32 $0x4E20, v9;
	v37 =	vld.idx.msk [tilespmem:v26+s2+$0x0], $0xffff  }
0x12a: {  	v32 =	vadd.s32 $0x2710, v8;
	v34 =	vadd.s32 $0x4E20, v8;
	v35 =	vadd.s32 $0x7530, v9;
	v27 =	vld.idx.msk [tilespmem:v27+s2+$0x0], $0xffff  }
0x12b: {  	v38 =	vadd.s32 $0x7530, v8;
	v39 =	vadd.s32 $0x2710, v6;
	v0 =	vadd.s32 $0x7530, v0;
	v28 =	vld.idx.msk [tilespmem:v28+s2+$0x0], $0xffff  }
0x12c: {  	v61 =	vadd.s32 $0x4E20, v6;
	v62 =	vadd.s32 $0x7530, v6;
	v1 =	vadd.s32 $0x7530, v1;
	v60 =	vld.idx.msk [tilespmem:v36+s2+$0x0], $0xffff  }
0x12d: {  	v40 =	vadd.s32 $0x2710, v17;
	v41 =	vadd.s32 $0x4E20, v17;
	v42 =	vadd.s32 $0x7530, v17;
	v31 =	vld.idx.msk [tilespmem:v31+s2+$0x0], $0xffff  }
0x12e: {  	v63 =	vadd.s32 $0x2710, v12;
	v43 =	vadd.s32 $0x4E20, v15;
	v50 =	vadd.s32 $0x7530, v13;
	v33 =	vld.idx.msk [tilespmem:v33+s2+$0x0], $0xffff  }
0x12f: {  	v44 =	vadd.s32 $0x4E20, v12;
	v45 =	vadd.s32 $0x7530, v15;
	v51 =	vadd.s32 $0x7530, v7;
	v35 =	vld.idx.msk [tilespmem:v35+s2+$0x0], $0xffff  }
0x130: {  	v46 =	vadd.s32 $0x2710, v13;
	v47 =	vadd.s32 $0x2710, v7;
	v48 =	vadd.s32 $0x4E20, v13;
	v0 =	vld.idx.msk [tilespmem:v0+s2+$0x0], $0xffff  }
0x131: {  	v49 =	vadd.s32 $0x4E20, v7;
	v1 =	vld.idx.msk [tilespmem:v1+s2+$0x0], $0xffff;
	v10 =	vmul.bf16 v11, v10;
	v11 =	vadd.s32 $0x4E20, v19  }
0x132: {  	v38 =	vld.idx.msk [tilespmem:v38+s2+$0x0], $0xffff;
	v16 =	vmul.bf16 v14, v16;
	v2 =	vmul.bf16 v3, v2;
	v3 =	vadd.s32 $0x7530, v19  }
0x133: {  	v50 =	vld.idx.msk [tilespmem:v50+s2+$0x0], $0xffff;
	v26 =	vunpack.i.u.bf16.f32 v10;
	v10 =	vunpack.i.l.bf16.f32 v10;
	v20 =	vmul.bf16 v21, v20  }
0x134: {  	v51 =	vld.idx.msk [tilespmem:v51+s2+$0x0], $0xffff;
	v52 =	vadd.s32 $0x2710, v5;
	v53 =	vadd.s32 $0x4E20, v4;
	v27 =	vmul.bf16 v28, v27  }
0x135: {  	v21 =	vld.idx.msk [tilespmem:v29+s2+$0x0], $0xffff;
	v36 =	vadd.s32 $0x7530, v5;
	v22 =	vmul.bf16 v22, v60;
	v10 =	vadd.f32 v10, v26  }
0x136: {  	v26 =	vunpack.i.u.bf16.f32 v2;
	v2 =	vunpack.i.l.bf16.f32 v2;
	v0 =	vmul.bf16 v1, v0;
	v1 =	vld.idx.msk [tilespmem:v30+s2+$0x0], $0xffff  }
0x137: {  	v59 =	vunpack.i.u.bf16.f32 v20;
	v20 =	vunpack.i.l.bf16.f32 v20;
	v57 =	vunpack.i.u.bf16.f32 v27;
	v11 =	vld.idx.msk [tilespmem:v11+s2+$0x0], $0xffff  }
0x138: {  	v40 =	vld.idx.msk [tilespmem:v40+s2+$0x0], $0xffff;
	v2 =	vadd.f32 v2, v26;
	v26 =	vunpack.i.u.bf16.f32 v0;
	v0 =	vunpack.i.l.bf16.f32 v0  }
0x139: {  	v56 =	vld.idx.msk [tilespmem:v61+s2+$0x0], $0xffff;
	v27 =	vunpack.i.l.bf16.f32 v27;
	v20 =	vadd.f32 v20, v59;
	v0 =	vadd.f32 v0, v26  }
0x13a: {  	v28 =	vmul.bf16 v51, v50;
	v27 =	vadd.f32 v27, v57;
	v59 =	vunpack.i.u.bf16.f32 v22;
	v3 =	vld.idx.msk [tilespmem:v3+s2+$0x0], $0xffff  }
0x13b: {  	v22 =	vunpack.i.l.bf16.f32 v22;
	v2 =	vadd.f32 v2, v10;
	v10 =	vld.idx.msk [tilespmem:v32+s2+$0x0], $0xffff;
	v0 =	vadd.f32 v0, v20  }
0x13c: {  	v20 =	vadd.s32 $0x2710, v15;
	v1 =	vmul.bf16 v1, v21;
	v21 =	vld.idx.msk [tilespmem:v41+s2+$0x0], $0xffff;
	v11 =	vmul.bf16 v23, v11  }
0x13d: {  	v41 =	vadd.f32 v22, v59;
	v26 =	vadd.f32 v0, v2;
	v2 =	vld.idx.msk [tilespmem:v34+s2+$0x0], $0xffff;
	v34 =	vadd.s32 $0x7530, v12  }
0x13e: {  	v0 =	vmul.bf16 v37, v25;
	v25 =	vld.idx.msk [tilespmem:v39+s2+$0x0], $0xffff;
	v37 =	vadd.s32 $0x2710, v4;
	v39 =	vadd.s32 $0x4E20, v5  }
0x13f: {  	v58 =	vld.idx.msk [tilespmem:v42+s2+$0x0], $0xffff;
	v23 =	vunpack.i.u.bf16.f32 v1;
	v3 =	vmul.bf16 v24, v3;
	v22 =	vunpack.i.u.bf16.f32 v11  }
0x140: {  	v61 =	vld.idx.msk [tilespmem:v43+s2+$0x0], $0xffff;
	v11 =	vunpack.i.l.bf16.f32 v11;
	v10 =	vmul.bf16 v10, v31;
	v1 =	vunpack.i.l.bf16.f32 v1  }
0x141: {  	v29 =	vld.idx.msk [tilespmem:v62+s2+$0x0], $0xffff;
	v22 =	vadd.f32 v11, v22;
	v23 =	vadd.f32 v1, v23;
	v54 =	vunpack.i.u.bf16.f32 v0  }
0x142: {  	v24 =	vld.idx.msk [tilespmem:v63+s2+$0x0], $0xffff;
	v0 =	vunpack.i.l.bf16.f32 v0;
	v60 =	vunpack.i.u.bf16.f32 v3;
	v3 =	vunpack.i.l.bf16.f32 v3  }
0x143: {  	v63 =	vld.idx.msk [tilespmem:v45+s2+$0x0], $0xffff;
	v11 =	vunpack.i.u.bf16.f32 v10;
	v10 =	vunpack.i.l.bf16.f32 v10;
	v3 =	vadd.f32 v3, v60  }
0x144: {  	v0 =	vadd.f32 v0, v54;
	v20 =	vld.idx.msk [tilespmem:v20+s2+$0x0], $0xffff;
	v11 =	vadd.f32 v10, v11;
	v10 =	vmul.bf16 v38, v35  }
0x145: {  	v60 =	vunpack.i.u.bf16.f32 v28;
	v2 =	vmul.bf16 v2, v33;
	v34 =	vld.idx.msk [tilespmem:v34+s2+$0x0], $0xffff;
	v1 =	vadd.f32 v3, v22  }
0x146: {  	v22 =	vld.idx.msk [tilespmem:v46+s2+$0x0], $0xffff;
	v3 =	vunpack.i.u.bf16.f32 v10;
	v10 =	vunpack.i.l.bf16.f32 v10;
	v25 =	vmul.bf16 v40, v25  }
0x147: {  	v28 =	vunpack.i.l.bf16.f32 v28;
	v46 =	vld.idx.msk [tilespmem:v47+s2+$0x0], $0xffff;
	v47 =	vadd.s32 $0x7530, v4;
	v3 =	vadd.f32 v10, v3  }
0x148: {  	v62 =	vld.idx.msk [tilespmem:v44+s2+$0x0], $0xffff;
	v45 =	vunpack.i.u.bf16.f32 v2;
	v2 =	vunpack.i.l.bf16.f32 v2;
	v10 =	vunpack.i.u.bf16.f32 v25  }
0x149: {  	v59 =	vld.idx.msk [tilespmem:v19+s2+$0x0], $0xffff;
	v35 =	vadd.f32 v2, v45;
	v2 =	vadd.f32 v23, v27;
	v23 =	vmul.bf16 v21, v56  }
0x14a: {  	v48 =	vld.idx.msk [tilespmem:v48+s2+$0x0], $0xffff;
	v21 =	vunpack.i.l.bf16.f32 v25;
	v25 =	vmul.bf16 v58, v29;
	v20 =	vmul.bf16 v24, v20  }
0x14b: {  	v52 =	vld.idx.msk [tilespmem:v52+s2+$0x0], $0xffff;
	v21 =	vadd.f32 v21, v10;
	v10 =	vunpack.i.u.bf16.f32 v23;
	v23 =	vunpack.i.l.bf16.f32 v23  }
0x14c: {  	v27 =	vld.idx.msk [tilespmem:v49+s2+$0x0], $0xffff;
	v30 =	vunpack.i.u.bf16.f32 v25;
	v25 =	vunpack.i.l.bf16.f32 v25;
	v55 =	vmul.bf16 v34, v63  }
0x14d: {  	v57 =	vld.idx.msk [tilespmem:v53+s2+$0x0], $0xffff;
	v24 =	vmul.bf16 v62, v61;
	v10 =	vadd.f32 v23, v10;
	v23 =	vadd.f32 v25, v30  }
0x14e: {  	v18 =	vmul.bf16 v18, v59;
	v25 =	vld.idx.msk [tilespmem:v37+s2+$0x0], $0xffff;
	v34 =	vunpack.i.u.bf16.f32 v55;
	v31 =	vunpack.i.l.bf16.f32 v55  }
0x14f: {  	v36 =	vld.idx.msk [tilespmem:v36+s2+$0x0], $0xffff;
	v10 =	vadd.f32 v23, v10;
	v23 =	vunpack.i.u.bf16.f32 v24;
	v24 =	vunpack.i.l.bf16.f32 v24  }
0x150: {  	v56 =	vld.idx.msk [tilespmem:v39+s2+$0x0], $0xffff;
	v22 =	vmul.bf16 v46, v22;
	v31 =	vadd.f32 v31, v34;
	v23 =	vadd.f32 v24, v23  }
0x151: {  	v54 =	vunpack.i.u.bf16.f32 v20;
	v20 =	vunpack.i.l.bf16.f32 v20;
	v58 =	vld.idx.msk [tilespmem:v47+s2+$0x0], $0xffff;
	v27 =	vmul.bf16 v27, v48  }
0x152: {  	v24 =	vadd.f32 v20, v54;
	v20 =	vunpack.i.u.bf16.f32 v22;
	v19 =	vadd.f32 v31, v23  }
0x153: {  	v23 =	vunpack.i.u.bf16.f32 v27;
	v27 =	vunpack.i.l.bf16.f32 v27;
	v25 =	vmul.bf16 v25, v52  }
0x154: {  	v9 =	vld.idx.msk [tilespmem:v9+s2+$0x0], $0xffff;
	v22 =	vunpack.i.l.bf16.f32 v22;
	v23 =	vadd.f32 v27, v23;
	v27 =	vadd.f32 v28, v60  }
0x155: {  	v62 =	vld.idx.msk [tilespmem:v6+s2+$0x0], $0xffff;
	v61 =	vmul.bf16 v57, v56;
	v22 =	vadd.f32 v22, v20;
	v20 =	vunpack.i.u.bf16.f32 v25  }
0x156: {  	v25 =	vunpack.i.l.bf16.f32 v25;
	v23 =	vadd.f32 v27, v23;
	v27 =	vld.idx.msk [tilespmem:v8+s2+$0x0], $0xffff;
	v8 =	vmul.bf16 v58, v36  }
0x157: {  	v63 =	vld.idx.msk [tilespmem:v17+s2+$0x0], $0xffff;
	v28 =	vunpack.i.l.bf16.f32 v61;
	v25 =	vadd.f32 v25, v20;
	v20 =	vunpack.i.u.bf16.f32 v61  }
0x158: {  	v14 =	vld.idx.msk [tilespmem:v12+s2+$0x0], $0xffff;
	v20 =	vadd.f32 v28, v20;
	v17 =	vunpack.i.u.bf16.f32 v8;
	v8 =	vunpack.i.l.bf16.f32 v8  }
0x159: {  	v6 =	vld.idx.msk [tilespmem:v15+s2+$0x0], $0xffff;
	v15 =	vadd.f32 v8, v17;
	v8 =	vunpack.i.u.bf16.f32 v18;
	v17 =	vunpack.i.l.bf16.f32 v18  }
0x15a: {  	v12 =	vadd.f32 v17, v8;
	v8 =	vld.idx.msk [tilespmem:v13+s2+$0x0], $0xffff;
	v13 =	vunpack.i.u.bf16.f32 v16  }
0x15b: {  	v7 =	vld.idx.msk [tilespmem:v7+s2+$0x0], $0xffff;
	v20 =	vadd.f32 v15, v20;
	v15 =	vunpack.i.l.bf16.f32 v16;
	v17 =	vmul.bf16 v27, v9  }
0x15c: {  	s1 =	simm.s32 $0x16240;
	v3 =	vadd.f32 v3, v35;
	v9 =	vld.idx.msk [tilespmem:v5+s2+$0x0], $0xffff;
	v5 =	vmul.bf16 v63, v62;
	v15 =	vadd.f32 v15, v13  }
0x15d: {  	s16 =	simm.s32 $0x113C0;
	s15 =	simm.s32 $0x0;
	s14 =	simm.s32 $0x16240;
	[tilespmem:s1+$0x30] =	vst v26;
	v12 =	vadd.f32 v41, v12;
	v13 =	vld.idx.msk [tilespmem:v4+s2+$0x0], $0xffff;
	v16 =	vunpack.i.u.bf16.f32 v17;
	v17 =	vunpack.i.l.bf16.f32 v17  }
.LBB2_5:
0x15e: {  	v18 =	vld [tilespmem:s16+$0x30];
	v15 =	vadd.f32 v0, v15;
	v0 =	vadd.f32 v17, v16;
	s0 =	sadd.s32 $0x80, s0  }
0x15f: {  	v6 =	vmul.bf16 v14, v6;
	v16 =	vld [tilespmem:s0+$0x30];
	v4 =	vunpack.i.u.bf16.f32 v5;
	v17 =	vunpack.i.l.bf16.f32 v5  }
0x160: {  	v5 =	vld [tilespmem:s0+$0xFFFFFFC0];
	v29 =	vadd.f32 v11, v0;
	v0 =	vadd.f32 v17, v4  }
0x161: {  	v11 =	vunpack.i.u.bf16.f32 v6;
	v6 =	vunpack.i.l.bf16.f32 v6;
	v14 =	vmul.bf16 v7, v8;
	v4 =	vld [tilespmem:s16+$0xFFFFFFD0]  }
0x162: {  	v7 =	vld [tilespmem:s0+$0xFFFFFFD0];
	v17 =	vadd.f32 v21, v0;
	v0 =	vadd.f32 v6, v11  }
0x163: {  	s15 =	sadd.s32 $0x80, s15;
	v32 =	vunpack.i.u.bf16.f32 v14;
	v13 =	vmul.bf16 v13, v9;
	v6 =	vld [tilespmem:s16+$0xFFFFFFE0];
	v11 =	vadd.s32 $0x2710, v18  }
0x164: {  	p0 =	slt.u32 s15, $0x2680;
	v14 =	vunpack.i.l.bf16.f32 v14;
	v8 =	vld [tilespmem:s0+$0xFFFFFFE0];
	v21 =	vadd.s32 $0x2710, v16;
	v33 =	vadd.f32 v24, v0  }
0x165: {  	v24 =	vadd.s32 $0x4E20, v18;
	v34 =	vadd.s32 $0x2710, v5;
	v35 =	vadd.s32 $0x4E20, v5;
	v9 =	vld [tilespmem:s16+$0xFFFFFFF0]  }
0x166: {  	v39 =	vadd.s32 $0x4E20, v16;
	v36 =	vadd.s32 $0x7530, v5;
	v37 =	vadd.s32 $0x2710, v4;
	v38 =	vld.idx.msk [tilespmem:v18+s2+$0x0], $0xffff  }
0x167: {  	v41 =	vadd.s32 $0x4E20, v4;
	v18 =	vadd.s32 $0x7530, v18;
	v40 =	vadd.s32 $0x2710, v7;
	v42 =	vld.idx.msk [tilespmem:v16+s2+$0x0], $0xffff  }
0x168: {  	v44 =	vadd.s32 $0x7530, v4;
	v43 =	vadd.s32 $0x4E20, v7;
	v16 =	vadd.s32 $0x7530, v16;
	v45 =	vld.idx.msk [tilespmem:v11+s2+$0x0], $0xffff  }
0x169: {  	v46 =	vadd.s32 $0x7530, v7;
	v0 =	vadd.s32 $0x2710, v6;
	v31 =	vadd.s32 $0x2710, v8;
	v47 =	vld.idx.msk [tilespmem:v21+s2+$0x0], $0xffff  }
0x16a: {  	v30 =	vadd.s32 $0x4E20, v6;
	v27 =	vadd.s32 $0x7530, v6;
	v28 =	vadd.s32 $0x4E20, v8;
	v48 =	vld.idx.msk [tilespmem:v24+s2+$0x0], $0xffff  }
0x16b: {  	v26 =	vadd.s32 $0x7530, v8;
	v24 =	vadd.s32 $0x2710, v9;
	v11 =	vadd.s32 $0x4E20, v9;
	v39 =	vld.idx.msk [tilespmem:v39+s2+$0x0], $0xffff  }
0x16c: {  	v49 =	vunpack.i.u.bf16.f32 v13;
	v13 =	vunpack.i.l.bf16.f32 v13;
	v21 =	vadd.s32 $0x7530, v9;
	v18 =	vld.idx.msk [tilespmem:v18+s2+$0x0], $0xffff  }
0x16d: {  	v50 =	vld.idx.msk [tilespmem:v16+s2+$0x0], $0xffff;
	v16 =	vadd.f32 v14, v32;
	v32 =	vadd.f32 v13, v49  }
0x16e: {  	v1 =	vadd.f32 v1, v12;
	v2 =	vadd.f32 v2, v15;
	v13 =	vld [tilespmem:s0+$0xFFFFFFF0]  }
0x16f: {  	v14 =	vld [tilespmem:s16+$0x0];
	v16 =	vadd.f32 v22, v16;
	v49 =	vadd.f32 v25, v32  }
0x170: {  	v22 =	vmul.bf16 v42, v38;
	v12 =	vld [tilespmem:s0+$0x0];
	[tilespmem:s1+$0xFFFFFFC0] =	vst v1;
	v1 =	vadd.f32 v3, v29;
	v3 =	vadd.f32 v10, v17  }
0x171: {  	v10 =	vmul.bf16 v47, v45;
	v15 =	vld [tilespmem:s16+$0x10];
	[tilespmem:s1+$0xFFFFFFD0] =	vst v2;
	v2 =	vadd.f32 v19, v33;
	v19 =	vadd.f32 v23, v16  }
0x172: {  	v25 =	vmul.bf16 v39, v48;
	v23 =	vunpack.i.u.bf16.f32 v22;
	v22 =	vunpack.i.l.bf16.f32 v22;
	v16 =	vld [tilespmem:s0+$0x10];
	[tilespmem:s1+$0xFFFFFFE0] =	vst v1  }
0x173: {  	v1 =	vadd.f32 v22, v23;
	v22 =	vunpack.i.u.bf16.f32 v10;
	v29 =	vmul.bf16 v50, v18;
	v17 =	vld [tilespmem:s16+$0x20];
	[tilespmem:s1+$0xFFFFFFF0] =	vst v3  }
0x174: {  	v3 =	vunpack.i.l.bf16.f32 v10;
	v10 =	vunpack.i.u.bf16.f32 v25;
	v25 =	vunpack.i.l.bf16.f32 v25;
	v18 =	vld [tilespmem:s0+$0x20];
	[tilespmem:s1+$0x0] =	vst v2  }
0x175: {  	v2 =	vadd.f32 v3, v22;
	v3 =	vunpack.i.u.bf16.f32 v29;
	v22 =	vunpack.i.l.bf16.f32 v29;
	v23 =	vld [tilespmem:s16+$0xFFFFFFC0];
	[tilespmem:s1+$0x10] =	vst v19  }
0x176: {  	v10 =	vadd.f32 v25, v10;
	v3 =	vadd.f32 v22, v3;
	v33 =	vld.idx.msk [tilespmem:v34+s2+$0x0], $0xffff;
	v34 =	vadd.s32 $0x2710, v13  }
0x177: {  	v38 =	vadd.s32 $0x4E20, v13;
	v39 =	vadd.s32 $0x7530, v13;
	v42 =	vadd.s32 $0x2710, v14;
	v35 =	vld.idx.msk [tilespmem:v35+s2+$0x0], $0xffff  }
0x178: {  	v45 =	vadd.s32 $0x2710, v12;
	v1 =	vadd.f32 v2, v1;
	v2 =	vadd.f32 v3, v10;
	v36 =	vld.idx.msk [tilespmem:v36+s2+$0x0], $0xffff  }
0x179: {  	v47 =	vadd.s32 $0x7530, v14;
	v10 =	vadd.s32 $0x4E20, v14;
	v3 =	vld.idx.msk [tilespmem:v37+s2+$0x0], $0xffff;
	v37 =	vadd.s32 $0x4E20, v12  }
0x17a: {  	v1 =	vadd.f32 v2, v1;
	v25 =	vadd.s32 $0x2710, v23;
	v48 =	vadd.s32 $0x4E20, v23;
	v40 =	vld.idx.msk [tilespmem:v40+s2+$0x0], $0xffff  }
0x17b: {  	v50 =	vadd.s32 $0x7530, v12;
	s1 =	sadd.s32 $0x80, s1;
	v51 =	vadd.s32 $0x2710, v15;
	v2 =	vadd.s32 $0x7530, v23;
	v41 =	vld.idx.msk [tilespmem:v41+s2+$0x0], $0xffff  }
0x17c: {  	v53 =	vadd.s32 $0x4E20, v15;
	v52 =	vadd.s32 $0x2710, v16;
	v54 =	vadd.s32 $0x4E20, v16;
	v43 =	vld.idx.msk [tilespmem:v43+s2+$0x0], $0xffff;
	[tilespmem:s1+$0x30] =	vst v1  }
0x17d: {  	v55 =	vadd.s32 $0x7530, v16;
	v56 =	vadd.s32 $0x2710, v17;
	v1 =	vld.idx.msk [tilespmem:v44+s2+$0x0], $0xffff;
	v44 =	vadd.s32 $0x7530, v15  }
0x17e: {  	v22 =	vadd.s32 $0x4E20, v17;
	v32 =	vadd.s32 $0x2710, v18;
	v19 =	vadd.s32 $0x4E20, v18;
	v46 =	vld.idx.msk [tilespmem:v46+s2+$0x0], $0xffff  }
0x17f: {  	v20 =	vadd.f32 v20, v49;
	v29 =	vadd.s32 $0x7530, v17;
	v57 =	vld.idx.msk [tilespmem:v25+s2+$0x0], $0xffff;
	v25 =	vadd.s32 $0x7530, v18  }
0x180: {  	v3 =	vmul.bf16 v40, v3;
	v48 =	vld.idx.msk [tilespmem:v48+s2+$0x0], $0xffff  }
0x181: {  	v2 =	vld.idx.msk [tilespmem:v2+s2+$0x0], $0xffff;
	[tilespmem:s14+$0x20] =	vst v20;
	s14 =	smov.u32 s1  }
0x182: {  	v20 =	vunpack.i.u.bf16.f32 v3;
	v3 =	vunpack.i.l.bf16.f32 v3;
	v40 =	vmul.bf16 v43, v41;
	v41 =	vld.idx.msk [tilespmem:v0+s2+$0x0], $0xffff  }
0x183: {  	v0 =	vadd.f32 v3, v20;
	v3 =	vld.idx.msk [tilespmem:v31+s2+$0x0], $0xffff  }
0x184: {  	v20 =	vunpack.i.u.bf16.f32 v40;
	v31 =	vunpack.i.l.bf16.f32 v40;
	v1 =	vmul.bf16 v46, v1;
	v30 =	vld.idx.msk [tilespmem:v30+s2+$0x0], $0xffff  }
0x185: {  	v33 =	vmul.bf16 v33, v57;
	v20 =	vadd.f32 v31, v20;
	v28 =	vld.idx.msk [tilespmem:v28+s2+$0x0], $0xffff  }
0x186: {  	v31 =	vmul.bf16 v35, v48;
	v35 =	vunpack.i.u.bf16.f32 v1;
	v1 =	vunpack.i.l.bf16.f32 v1;
	v27 =	vld.idx.msk [tilespmem:v27+s2+$0x0], $0xffff  }
0x187: {  	v40 =	vunpack.i.u.bf16.f32 v33;
	v33 =	vunpack.i.l.bf16.f32 v33;
	v2 =	vmul.bf16 v36, v2;
	v36 =	vld.idx.msk [tilespmem:v26+s2+$0x0], $0xffff  }
0x188: {  	v26 =	vadd.f32 v33, v40;
	v33 =	vunpack.i.u.bf16.f32 v31;
	v31 =	vunpack.i.l.bf16.f32 v31;
	v24 =	vld.idx.msk [tilespmem:v24+s2+$0x0], $0xffff  }
0x189: {  	v40 =	vunpack.i.u.bf16.f32 v2;
	v2 =	vunpack.i.l.bf16.f32 v2;
	v3 =	vmul.bf16 v3, v41;
	v34 =	vld.idx.msk [tilespmem:v34+s2+$0x0], $0xffff  }
0x18a: {  	v31 =	vadd.f32 v31, v33;
	v2 =	vadd.f32 v2, v40;
	v33 =	vld.idx.msk [tilespmem:v11+s2+$0x0], $0xffff  }
0x18b: {  	v11 =	vunpack.i.u.bf16.f32 v3;
	v3 =	vunpack.i.l.bf16.f32 v3;
	v28 =	vmul.bf16 v28, v30;
	v30 =	vld.idx.msk [tilespmem:v38+s2+$0x0], $0xffff  }
0x18c: {  	v35 =	vadd.f32 v1, v35;
	v11 =	vadd.f32 v3, v11;
	v38 =	vld.idx.msk [tilespmem:v21+s2+$0x0], $0xffff  }
0x18d: {  	v3 =	vunpack.i.u.bf16.f32 v28;
	v21 =	vunpack.i.l.bf16.f32 v28;
	v27 =	vmul.bf16 v36, v27;
	v28 =	vld.idx.msk [tilespmem:v39+s2+$0x0], $0xffff  }
0x18e: {  	v1 =	vadd.f32 v2, v31;
	v3 =	vadd.f32 v21, v3;
	v31 =	vld.idx.msk [tilespmem:v42+s2+$0x0], $0xffff  }
0x18f: {  	v21 =	vunpack.i.u.bf16.f32 v27;
	v27 =	vunpack.i.l.bf16.f32 v27;
	v24 =	vmul.bf16 v34, v24;
	v34 =	vld.idx.msk [tilespmem:v45+s2+$0x0], $0xffff  }
0x190: {  	v2 =	vadd.f32 v35, v20;
	v20 =	vadd.f32 v27, v21;
	v10 =	vld.idx.msk [tilespmem:v10+s2+$0x0], $0xffff  }
0x191: {  	v21 =	vunpack.i.u.bf16.f32 v24;
	v24 =	vunpack.i.l.bf16.f32 v24;
	v27 =	vmul.bf16 v30, v33;
	v30 =	vld.idx.msk [tilespmem:v37+s2+$0x0], $0xffff  }
0x192: {  	v3 =	vadd.f32 v20, v3;
	v21 =	vadd.f32 v24, v21;
	v20 =	vld.idx.msk [tilespmem:v47+s2+$0x0], $0xffff  }
0x193: {  	v24 =	vunpack.i.u.bf16.f32 v27;
	v27 =	vunpack.i.l.bf16.f32 v27;
	v28 =	vmul.bf16 v28, v38;
	v33 =	vld.idx.msk [tilespmem:v50+s2+$0x0], $0xffff  }
0x194: {  	v24 =	vadd.f32 v27, v24;
	v27 =	vld.idx.msk [tilespmem:v51+s2+$0x0], $0xffff  }
0x195: {  	v35 =	vunpack.i.u.bf16.f32 v28;
	v28 =	vunpack.i.l.bf16.f32 v28;
	v31 =	vmul.bf16 v34, v31;
	v34 =	vld.idx.msk [tilespmem:v52+s2+$0x0], $0xffff  }
0x196: {  	v28 =	vadd.f32 v28, v35;
	v35 =	vld.idx.msk [tilespmem:v53+s2+$0x0], $0xffff  }
0x197: {  	v36 =	vunpack.i.u.bf16.f32 v31;
	v31 =	vunpack.i.l.bf16.f32 v31;
	v30 =	vmul.bf16 v30, v10;
	v37 =	vld.idx.msk [tilespmem:v54+s2+$0x0], $0xffff  }
0x198: {  	v10 =	vadd.f32 v28, v24;
	v24 =	vadd.f32 v31, v36;
	v28 =	vld.idx.msk [tilespmem:v44+s2+$0x0], $0xffff  }
0x199: {  	v31 =	vunpack.i.u.bf16.f32 v30;
	v30 =	vunpack.i.l.bf16.f32 v30;
	v20 =	vmul.bf16 v33, v20;
	v33 =	vld.idx.msk [tilespmem:v55+s2+$0x0], $0xffff  }
0x19a: {  	v30 =	vadd.f32 v30, v31;
	v31 =	vld.idx.msk [tilespmem:v56+s2+$0x0], $0xffff  }
0x19b: {  	v36 =	vunpack.i.u.bf16.f32 v20;
	v20 =	vunpack.i.l.bf16.f32 v20;
	v27 =	vmul.bf16 v34, v27;
	v32 =	vld.idx.msk [tilespmem:v32+s2+$0x0], $0xffff  }
0x19c: {  	v20 =	vadd.f32 v20, v36;
	v34 =	vld.idx.msk [tilespmem:v22+s2+$0x0], $0xffff  }
0x19d: {  	v22 =	vunpack.i.u.bf16.f32 v27;
	v27 =	vunpack.i.l.bf16.f32 v27;
	v35 =	vmul.bf16 v37, v35;
	v36 =	vld.idx.msk [tilespmem:v19+s2+$0x0], $0xffff  }
0x19e: {  	v19 =	vadd.f32 v20, v30;
	v22 =	vadd.f32 v27, v22;
	v20 =	vld.idx.msk [tilespmem:v29+s2+$0x0], $0xffff  }
0x19f: {  	v27 =	vunpack.i.u.bf16.f32 v35;
	v29 =	vunpack.i.l.bf16.f32 v35;
	v28 =	vmul.bf16 v33, v28;
	v30 =	vld.idx.msk [tilespmem:v25+s2+$0x0], $0xffff  }
0x1a0: {  	v33 =	vld.idx.msk [tilespmem:v23+s2+$0x0], $0xffff;
	v23 =	vadd.f32 v29, v27  }
0x1a1: {  	v25 =	vunpack.i.u.bf16.f32 v28;
	v27 =	vunpack.i.l.bf16.f32 v28;
	v28 =	vmul.bf16 v32, v31;
	v5 =	vld.idx.msk [tilespmem:v5+s2+$0x0], $0xffff  }
0x1a2: {  	v25 =	vadd.f32 v27, v25;
	v4 =	vld.idx.msk [tilespmem:v4+s2+$0x0], $0xffff  }
0x1a3: {  	v27 =	vunpack.i.u.bf16.f32 v28;
	v28 =	vunpack.i.l.bf16.f32 v28;
	v29 =	vmul.bf16 v36, v34;
	v7 =	vld.idx.msk [tilespmem:v7+s2+$0x0], $0xffff  }
0x1a4: {  	v23 =	vadd.f32 v25, v23;
	v25 =	vadd.f32 v28, v27;
	v31 =	vld.idx.msk [tilespmem:v6+s2+$0x0], $0xffff  }
0x1a5: {  	v6 =	vunpack.i.u.bf16.f32 v29;
	v20 =	vmul.bf16 v30, v20;
	v27 =	vld.idx.msk [tilespmem:v8+s2+$0x0], $0xffff;
	v8 =	vunpack.i.l.bf16.f32 v29  }
0x1a6: {  	v28 =	vld.idx.msk [tilespmem:v9+s2+$0x0], $0xffff;
	v9 =	vadd.f32 v8, v6  }
0x1a7: {  	v5 =	vmul.bf16 v5, v33;
	v8 =	vunpack.i.u.bf16.f32 v20;
	v20 =	vunpack.i.l.bf16.f32 v20;
	v13 =	vld.idx.msk [tilespmem:v13+s2+$0x0], $0xffff  }
0x1a8: {  	v20 =	vadd.f32 v20, v8;
	v6 =	vld.idx.msk [tilespmem:v14+s2+$0x0], $0xffff  }
.Ltmp1:
0x1a9: {  	v8 =	vunpack.i.u.bf16.f32 v5;
	v5 =	vunpack.i.l.bf16.f32 v5;
	v4 =	vmul.bf16 v7, v4;
	v14 =	vld.idx.msk [tilespmem:v12+s2+$0x0], $0xffff;
	(pc) =	sbr.rel @p0 .LBB2_5-.Ltmp1, $4  }
0x1aa: {  	v5 =	vadd.f32 v5, v8;
	v20 =	vadd.f32 v20, v9;
	v8 =	vld.idx.msk [tilespmem:v15+s2+$0x0], $0xffff  }
0x1ab: {  	v9 =	vunpack.i.u.bf16.f32 v4;
	v4 =	vunpack.i.l.bf16.f32 v4;
	v27 =	vmul.bf16 v27, v31;
	v7 =	vld.idx.msk [tilespmem:v16+s2+$0x0], $0xffff  }
0x1ac: {  	v12 =	vadd.f32 v26, v5;
	v15 =	vadd.f32 v4, v9;
	v9 =	vld.idx.msk [tilespmem:v17+s2+$0x0], $0xffff  }
0x1ad: {  	s16 =	sadd.s32 $0x80, s16;
	v16 =	vunpack.i.u.bf16.f32 v27;
	v17 =	vunpack.i.l.bf16.f32 v27;
	v5 =	vmul.bf16 v13, v28;
	v13 =	vld.idx.msk [tilespmem:v18+s2+$0x0], $0xffff  }
0x1ae: {  	v4 =	vmul.bf16 v14, v6;
	v41 =	vadd.f32 v17, v16;
	v0 =	vadd.f32 v0, v15  }
0x1af: {  	v1 =	vadd.f32 v1, v12;
	v42 =	vunpack.i.u.bf16.f32 v5;
	v43 =	vunpack.i.l.bf16.f32 v5  }
0x1b0: {  	v44 =	vunpack.i.u.bf16.f32 v4;
	v4 =	vunpack.i.l.bf16.f32 v4;
	v5 =	vadd.f32 v43, v42  }
0x1b1: {  	v7 =	vmul.bf16 v7, v8;
	v6 =	vadd.f32 v11, v41;
	v0 =	vadd.f32 v2, v0  }
0x1b2: {  	v4 =	vadd.f32 v4, v44;
	v45 =	vmul.bf16 v13, v9;
	v5 =	vadd.f32 v21, v5  }
0x1b3: {  	v46 =	vunpack.i.u.bf16.f32 v7;
	v7 =	vunpack.i.l.bf16.f32 v7;
	v49 =	vadd.f32 v3, v6  }
0x1b4: {  	v7 =	vadd.f32 v7, v46;
	v47 =	vunpack.i.u.bf16.f32 v45;
	v8 =	vunpack.i.l.bf16.f32 v45  }
0x1b5: {  	[tilespmem:s1+$0xFFFFFFC0] =	vst v1;
	v4 =	vadd.f32 v24, v4;
	v48 =	vadd.f32 v8, v47  }
0x1b6: {  	[tilespmem:s1+$0xFFFFFFD0] =	vst v0;
	v5 =	vadd.f32 v10, v5;
	v50 =	vadd.f32 v22, v7  }
0x1b7: {  	[tilespmem:s1+$0xFFFFFFE0] =	vst v49;
	v52 =	vadd.f32 v19, v4;
	v51 =	vadd.f32 v25, v48  }
0x1b8: {  	[tilespmem:s1+$0xFFFFFFF0] =	vst v5;
	v53 =	vadd.f32 v23, v50  }
0x1b9: {  	[tilespmem:s1+$0x0] =	vst v52;
	v0 =	vadd.f32 v20, v51  }
0x1ba: {  	[tilespmem:s1+$0x10] =	vst v53  }
0x1bb: {  	[tilespmem:s14+$0x20] =	vst v0  }
0x1bc: {  	v0 =	vld [tilespmem:$0x13A00]  }
0x1bd: {  	v1 =	vld [tilespmem:$0x16180];
	_ =	sdelay $0x3  }
0x1be: {  	v54 =	vadd.s32 $0x2710, v0  }
0x1bf: {  	v55 =	vadd.s32 $0x2710, v1  }
0x1c0: {  	v56 =	vadd.s32 $0x4E20, v0  }
0x1c1: {  	v57 =	vadd.s32 $0x4E20, v1;
	v5 =	vld.idx.msk [tilespmem:v0+s2+$0x0], $0xffff  }
0x1c2: {  	v58 =	vld.idx.msk [tilespmem:v1+s2+$0x0], $0xffff;
	v0 =	vadd.s32 $0x7530, v0  }
0x1c3: {  	v1 =	vadd.s32 $0x7530, v1;
	v2 =	vld.idx.msk [tilespmem:v54+s2+$0x0], $0xffff  }
0x1c4: {  	v3 =	vld.idx.msk [tilespmem:v55+s2+$0x0], $0xffff  }
0x1c5: {  	v4 =	vld.idx.msk [tilespmem:v56+s2+$0x0], $0xffff  }
0x1c6: {  	v6 =	vld.idx.msk [tilespmem:v57+s2+$0x0], $0xffff  }
0x1c7: {  	v0 =	vld.idx.msk [tilespmem:v0+s2+$0x0], $0xffff  }
0x1c8: {  	v1 =	vld.idx.msk [tilespmem:v1+s2+$0x0], $0xffff;
	_ =	sdelay $0x1  }
0x1c9: {  	v5 =	vmul.bf16 v58, v5  }
0x1ca: {  	v2 =	vmul.bf16 v3, v2  }
0x1cb: {  	v59 =	vunpack.i.u.bf16.f32 v5;
	v5 =	vunpack.i.l.bf16.f32 v5;
	v4 =	vmul.bf16 v6, v4  }
0x1cc: {  	v61 =	vadd.f32 v5, v59;
	v60 =	vunpack.i.u.bf16.f32 v2;
	v0 =	vmul.bf16 v1, v0  }
0x1cd: {  	v2 =	vunpack.i.l.bf16.f32 v2;
	v62 =	vunpack.i.u.bf16.f32 v4;
	v4 =	vunpack.i.l.bf16.f32 v4  }
0x1ce: {  	v2 =	vadd.f32 v2, v60;
	v63 =	vunpack.i.u.bf16.f32 v0;
	v0 =	vunpack.i.l.bf16.f32 v0  }
0x1cf: {  	v3 =	vadd.f32 v4, v62;
	v0 =	vadd.f32 v0, v63  }
0x1d0: {  	s30 =	sadd.s32 $0x1, s30  }
0x1d1: {  	p0 =	sne.s32 s30, $0x10;
	v1 =	vadd.f32 v2, v61;
	v0 =	vadd.f32 v0, v3  }
.Ltmp2:
0x1d2: {  	_ = 	snop;
	(pc) =	sbr.rel @p0 .LBB2_2-.Ltmp2, $4  }
0x1d3: {  	s0 =	sadd.s32 s31, s9;
	v0 =	vadd.f32 v0, v1  }
0x1d4: {  	s0 =	sshrl.u32 s0, $0x3  }
0x1d5: {  	s0 =	sadd.s32 s3, s0;
	[tilespmem:$0x18900] =	vst v0  }
0x1d6: {  	[hbm4b:s0+s2] =	stream.linear.scatter [tilespmem:s25], [sflag:$0x4], $0x2710, $0x38;
	[tilespmem:$0x18980] =	vst v63  }
0x1d7: {  	s29 =	sadd.s32 $0x1, s29  }
0x1d8: {  	_ =	swait.ge [sflag:s26], $0x2710;
	p0 =	sne.s32 s29, s11  }
.Ltmp3:
0x1d9: {  	[sflag:s26] =	ssyncset.done $0x0;
	(pc) =	sbr.rel @p0 .LBB2_1-.Ltmp3, $4  }
0x1da: {  	[sflag:s26] =	ssyncadd.s32 $0xFFFFD8F0  }
0x1db: {  	_ =	swait.ge [sflag:s28], $0x2710  }
0x1dc: {  	[sflag:s28] =	ssyncset.done $0x0  }
0x1dd: {  	[sflag:s28] =	ssyncadd.s32 $0xFFFFD8F0  }
0x1de: {  	_ =	sfence.sel $0x180000  }
0x1df: {  	[bflag:$0x0] =	sbarrier.arrive $0xFFFF  }
0x1e0: {  	_ =	strace $0x90000047  }
0x1e1: {  	s0 =	stileid.u32;
	[bflag:$0x2] =	sbarrier.arrive $0xFFFF  }
0x1e2: {  	p0 =	sne.s32 s0, $0x0;
	s0 =	rddreg [dreg:$0x1]  }
0x1e3: {  	s0 =	sadd.s32 @!p0 $0x100000, s0  }
0x1e4: {  	[sflag:s0] =	ssyncadd.tile.s32 @!p0 $0x1;
	_ =	shalt  }
.Lfunc_end2:
_tile_overlayer_lowered:
.L_overlay_start_2:
0x1e5: {  	(tag) =	ssettag $0x2  }
0x1e6: {  	s0 =	rddreg [dreg:$0x0];
	s2 =	stileid.u32  }
0x1e7: {  	s1 =	rddreg [dreg:$0x1];
	p0 =	sne.s32 s2, $0x0  }
0x1e8: {  	s3 =	rddreg [dreg:$0x2];
	[bflag:$0x3] =	sbarrier.arrive $0xFFFF;
	s2 =	simm.s32 @!p0 $0x1C05  }
0x1e9: {  	[timem:s3], [sflag:s2] =	dma.local @!p0 [hbm:s0], s1  }
0x1ea: {  	s0 =	simm.s32 @!p0 $0x5  }
0x1eb: {  	_ =	swait.ge @!p0 [sflag:s0], s1  }
0x1ec: {  	s1 =	ssub.s32 @!p0 $0x0, s1;
	[sflag:s0] =	ssyncset.done @!p0 $0x0  }
0x1ed: {  	[sflag:s0] =	ssyncadd.s32 @!p0 s1  }
0x1ee: {  	[bflag:$0x3] =	sbarrier.arrive $0xFFFF  }
0x1ef: {  	_ =	shalt  }

</sc_bundles>
